<compile_context>
chip_gen: v7x
topology: tpu7x:2x2x1
jax: 0.10.2.dev20260603
libtpu: 0.0.44.dev20260713+nightly
codegen_flags: <defaults>
</compile_context>

<pallas_src>
import functools

import jax
import jax.numpy as jnp
from jax import lax
from jax.experimental import pallas as pl
from jax.experimental.pallas import tpu as pltpu
from jax.experimental.pallas import tpu_sc as plsc

VOCAB = 1000000
LATENT = 32
BATCH = 16384

NC = 2
NS = 16
NW = NC * NS
L = 16

ROWS = BATCH // NW
KCH = 128
NCH = ROWS // KCH
PAD = 8


def _sc_lookup(ids_flat, table):
    mesh = plsc.VectorSubcoreMesh(core_axis_name="c", subcore_axis_name="s")

    @functools.partial(
        pl.kernel,
        mesh=mesh,
        compiler_params=pltpu.CompilerParams(
            use_tc_tiling_on_sc=False,
            needs_layout_passes=False,
        ),
        out_type=(
            jax.ShapeDtypeStruct((BATCH, LATENT), jnp.float32),
            jax.ShapeDtypeStruct((BATCH, LATENT), jnp.float32),
            jax.ShapeDtypeStruct((BATCH, LATENT), jnp.float32),
        ),
        scratch_types=[
            pltpu.VMEM((2 * ROWS + PAD,), jnp.int32),
            pltpu.VMEM((NCH, KCH), jnp.int32),
            pltpu.VMEM((NCH, KCH), jnp.int32),
            pltpu.VMEM((NCH, KCH), jnp.int32),
            pltpu.VMEM((ROWS, LATENT), jnp.float32),
            pltpu.VMEM((ROWS, LATENT), jnp.float32),
            pltpu.VMEM((ROWS, LATENT), jnp.float32),
            pltpu.SemaphoreType.DMA,
        ],
    )
    def k(ids_hbm, table_hbm, out1, out2, out3,
          raw_v, idx1_v, idx2_v, idx3_v, rows1_v, rows2_v, rows3_v, sem):
        wid = lax.axis_index("s") * NC + lax.axis_index("c")
        base = wid * ROWS

        prev = lax.rem(2 * base - PAD + 2 * BATCH, 2 * BATCH)
        pltpu.sync_copy(ids_hbm.at[pl.ds(prev, PAD)], raw_v.at[pl.ds(0, PAD)])
        pltpu.sync_copy(ids_hbm.at[pl.ds(2 * base, 2 * ROWS)],
                        raw_v.at[pl.ds(PAD, 2 * ROWS)])

        lane = lax.iota(jnp.int32, L)
        for t in range(ROWS // L):
            j = 2 * (t * L) + 2 * lane
            v3 = plsc.load_gather(raw_v, [j + (PAD - 1)])
            v1 = plsc.load_gather(raw_v, [j + PAD])
            v2 = plsc.load_gather(raw_v, [j + (PAD + 1)])
            r = (t * L) // KCH
            c = (t * L) % KCH
            idx1_v[r, pl.ds(c, L)] = v1
            idx2_v[r, pl.ds(c, L)] = v2
            idx3_v[r, pl.ds(c, L)] = v3

        copies = []
        for j in range(NCH):
            copies.append(pltpu.make_async_copy(
                table_hbm.at[idx1_v.at[j]],
                rows1_v.at[pl.ds(j * KCH, KCH)], sem))
            copies.append(pltpu.make_async_copy(
                table_hbm.at[idx2_v.at[j]],
                rows2_v.at[pl.ds(j * KCH, KCH)], sem))
            copies.append(pltpu.make_async_copy(
                table_hbm.at[idx3_v.at[j]],
                rows3_v.at[pl.ds(j * KCH, KCH)], sem))
        for cp in copies:
            cp.start()
        for cp in copies:
            cp.wait()

        pltpu.sync_copy(rows1_v, out1.at[pl.ds(base, ROWS)])
        pltpu.sync_copy(rows2_v, out2.at[pl.ds(base, ROWS)])
        pltpu.sync_copy(rows3_v, out3.at[pl.ds(base, ROWS)])

    return k(ids_flat, table)


def kernel(input_ids, table):
    ids_flat = input_ids.astype(jnp.int32).reshape(2 * BATCH)
    return _sc_lookup(ids_flat, table)

# --- scband reference (transcript-rebuilt; emitter-appended) ---
"""Pipeline reference for scband-contrastive-embeddings-model-46420006535360 (READ-ONLY COPY).

The authoritative reference and input builder live on the scoring server;
editing this copy changes nothing except your own understanding.
"""

import jax, jax.numpy as jnp
import numpy as np

VOCAB = 1000000
LATENT = 32
BATCH = 16384


def setup_inputs(seed: int = 0) -> dict:
    key = jax.random.key(seed)
    k_idx, k_tab = jax.random.split(key)
    input_ids = jax.random.randint(k_idx, (BATCH, 2), 0, VOCAB, dtype=jnp.int64 if jax.config.jax_enable_x64 else jnp.int32)
    table = jax.random.normal(k_tab, (VOCAB, LATENT), dtype=jnp.float32)
    return {"input_ids": input_ids, "table": table}


def reference(input_ids, table):
    # nn.Embedding lookup: embs[b, s] = table[input_ids[b, s]]
    embs = jnp.take(table, input_ids, axis=0)  # [B, 2, LATENT]
    emb1 = embs[:, 0]
    emb2 = embs[:, 1]
    emb3 = jnp.roll(emb2, 1, axis=0)  # torch.roll(emb2, 1, dims=0)
    # result dict {'emb1','emb2','emb3','logits': None} -> return arrays as tuple
    return (emb1, emb2, emb3)

if __name__ == "__main__":
    import jax
    _d = setup_inputs()
    print(jax.jit(kernel)(*tuple(_d.values())))

</pallas_src>

<mosaic_0001>
#map = affine_map<(d0, d1) -> (0)>
#map1 = affine_map<(d0, d1) -> (0, 0)>
module attributes {stable_mosaic.version = 14 : i64} {
  func.func @k(%arg0: i32, %arg1: i32, %arg2: memref<32768xi32, #tpu.memory_space<hbm>>, %arg3: memref<1000000x32xf32, #tpu.memory_space<hbm>>, %arg4: memref<16384x32xf32, #tpu.memory_space<hbm>>, %arg5: memref<16384x32xf32, #tpu.memory_space<hbm>>, %arg6: memref<16384x32xf32, #tpu.memory_space<hbm>>, %arg7: memref<1032xi32, #tpu.memory_space<vmem>>, %arg8: memref<4x128xi32, #tpu.memory_space<vmem>>, %arg9: memref<4x128xi32, #tpu.memory_space<vmem>>, %arg10: memref<4x128xi32, #tpu.memory_space<vmem>>, %arg11: memref<512x32xf32, #tpu.memory_space<vmem>>, %arg12: memref<512x32xf32, #tpu.memory_space<vmem>>, %arg13: memref<512x32xf32, #tpu.memory_space<vmem>>, %arg14: memref<!tpu.dma_semaphore, #tpu.memory_space<semaphore_mem>>) attributes {dimension_semantics = [#tpu.dimension_semantics<core_parallel>, #tpu.dimension_semantics<subcore_parallel>], iteration_bounds = array<i64: 2, 16>, scalar_prefetch = 0 : i64, scratch_operands = 8 : i64, tpu.core_type = #tpu.core_type<sc_vector_subcore>, window_params = [{transform_indices = #map}, {transform_indices = #map1}, {transform_indices = #map1}, {transform_indices = #map1}, {transform_indices = #map1}]} {
    %mul3A = arith.constant 2 : i32
    %mul3A_0 = arith.muli %arg1, %mul3A : i32
    %add3A = arith.addi %mul3A_0, %arg0 : i32
    %mul3A_1 = arith.constant 512 : i32
    %mul3A_2 = arith.muli %add3A, %mul3A_1 : i32
    %mul3A_3 = arith.constant 2 : i32
    %mul3A_4 = arith.muli %mul3A_3, %mul3A_2 : i32
    %sub3A = arith.constant 8 : i32
    %sub3A_5 = arith.subi %mul3A_4, %sub3A : i32
    %add3A_6 = arith.constant 32768 : i32
    %add3A_7 = arith.addi %sub3A_5, %add3A_6 : i32
    %rem3A = arith.constant 32768 : i32
    %rem3A_8 = arith.remsi %add3A_7, %rem3A : i32
    "tpu.region"() ({
      %run_scoped3A = tpu.sem_alloc : memref<!tpu.dma_semaphore, #tpu.memory_space<semaphore_mem>>
      %dma_start3A_1207 = arith.constant 0 : i32
      %dma_start3A_1208 = tpu.memref_slice %arg7[%dma_start3A_1207] : memref<1032xi32, #tpu.memory_space<vmem>> -> memref<8xi32, #tpu.memory_space<vmem>>
      %dma_start3A_1209 = tpu.memref_slice %arg2[%rem3A_8] : memref<32768xi32, #tpu.memory_space<hbm>> -> memref<8xi32, #tpu.memory_space<hbm>>
      %dma_start3A_1210 = arith.constant 0 : i32
      %dma_start3A_1211 = tpu.memref_slice %arg7[%dma_start3A_1210] : memref<1032xi32, #tpu.memory_space<vmem>> -> memref<8xi32, #tpu.memory_space<vmem>>
      %dma_start3A_1212 = tpu.memref_slice %arg2[%rem3A_8] : memref<32768xi32, #tpu.memory_space<hbm>> -> memref<8xi32, #tpu.memory_space<hbm>>
      tpu.enqueue_dma source(%dma_start3A_1212 : memref<8xi32, #tpu.memory_space<hbm>>) target(%dma_start3A_1211 : memref<8xi32, #tpu.memory_space<vmem>>) target_semaphore(%run_scoped3A : memref<!tpu.dma_semaphore, #tpu.memory_space<semaphore_mem>>)
      %dma_wait3A_1213 = arith.constant 0 : i32
      %dma_wait3A_1214 = tpu.memref_slice %arg7[%dma_wait3A_1213] : memref<1032xi32, #tpu.memory_space<vmem>> -> memref<8xi32, #tpu.memory_space<vmem>>
      %dma_wait3A_1215 = tpu.memref_slice %arg2[%rem3A_8] : memref<32768xi32, #tpu.memory_space<hbm>> -> memref<8xi32, #tpu.memory_space<hbm>>
      %dma_wait3A_1216 = arith.constant 0 : i32
      %dma_wait3A_1217 = tpu.memref_slice %arg7[%dma_wait3A_1216] : memref<1032xi32, #tpu.memory_space<vmem>> -> memref<8xi32, #tpu.memory_space<vmem>>
      %dma_wait3A_1218 = tpu.memref_slice %arg2[%rem3A_8] : memref<32768xi32, #tpu.memory_space<hbm>> -> memref<8xi32, #tpu.memory_space<hbm>>
      tpu.wait_dma2 semaphore(%run_scoped3A : memref<!tpu.dma_semaphore, #tpu.memory_space<semaphore_mem>>) src(%dma_wait3A_1218 : memref<8xi32, #tpu.memory_space<hbm>>) dst(%dma_wait3A_1217 : memref<8xi32, #tpu.memory_space<vmem>>)
      tpu.yield
    }) : () -> ()
    %mul3A_9 = arith.constant 2 : i32
    %mul3A_10 = arith.muli %mul3A_9, %mul3A_2 : i32
    "tpu.region"() ({
      %run_scoped3A = tpu.sem_alloc : memref<!tpu.dma_semaphore, #tpu.memory_space<semaphore_mem>>
      %dma_start3A_1207 = arith.constant 8 : i32
      %dma_start3A_1208 = tpu.memref_slice %arg7[%dma_start3A_1207] : memref<1032xi32, #tpu.memory_space<vmem>> -> memref<1024xi32, #tpu.memory_space<vmem>>
      %dma_start3A_1209 = tpu.memref_slice %arg2[%mul3A_10] : memref<32768xi32, #tpu.memory_space<hbm>> -> memref<1024xi32, #tpu.memory_space<hbm>>
      %dma_start3A_1210 = arith.constant 8 : i32
      %dma_start3A_1211 = tpu.memref_slice %arg7[%dma_start3A_1210] : memref<1032xi32, #tpu.memory_space<vmem>> -> memref<1024xi32, #tpu.memory_space<vmem>>
      %dma_start3A_1212 = tpu.memref_slice %arg2[%mul3A_10] : memref<32768xi32, #tpu.memory_space<hbm>> -> memref<1024xi32, #tpu.memory_space<hbm>>
      tpu.enqueue_dma source(%dma_start3A_1212 : memref<1024xi32, #tpu.memory_space<hbm>>) target(%dma_start3A_1211 : memref<1024xi32, #tpu.memory_space<vmem>>) target_semaphore(%run_scoped3A : memref<!tpu.dma_semaphore, #tpu.memory_space<semaphore_mem>>)
      %dma_wait3A_1213 = arith.constant 8 : i32
      %dma_wait3A_1214 = tpu.memref_slice %arg7[%dma_wait3A_1213] : memref<1032xi32, #tpu.memory_space<vmem>> -> memref<1024xi32, #tpu.memory_space<vmem>>
      %dma_wait3A_1215 = tpu.memref_slice %arg2[%mul3A_10] : memref<32768xi32, #tpu.memory_space<hbm>> -> memref<1024xi32, #tpu.memory_space<hbm>>
      %dma_wait3A_1216 = arith.constant 8 : i32
      %dma_wait3A_1217 = tpu.memref_slice %arg7[%dma_wait3A_1216] : memref<1032xi32, #tpu.memory_space<vmem>> -> memref<1024xi32, #tpu.memory_space<vmem>>
      %dma_wait3A_1218 = tpu.memref_slice %arg2[%mul3A_10] : memref<32768xi32, #tpu.memory_space<hbm>> -> memref<1024xi32, #tpu.memory_space<hbm>>
      tpu.wait_dma2 semaphore(%run_scoped3A : memref<!tpu.dma_semaphore, #tpu.memory_space<semaphore_mem>>) src(%dma_wait3A_1218 : memref<1024xi32, #tpu.memory_space<hbm>>) dst(%dma_wait3A_1217 : memref<1024xi32, #tpu.memory_space<vmem>>)
      tpu.yield
    }) : () -> ()
    %iota3A = tpu.iota {dimensions = array<i32: 0>} : vector<16xi32>
    %mul3A_11 = arith.constant 2 : i32
    %mul3A_12 = vector.broadcast %mul3A_11 : i32 to vector<16xi32>
    %mul3A_13 = arith.muli %mul3A_12, %iota3A : vector<16xi32>
    %add3A_14 = arith.constant 0 : i32
    %add3A_15 = vector.broadcast %add3A_14 : i32 to vector<16xi32>
    %add3A_16 = arith.addi %add3A_15, %mul3A_13 : vector<16xi32>
    %add3A_17 = arith.constant 7 : i32
    %add3A_18 = vector.broadcast %add3A_17 : i32 to vector<16xi32>
    %add3A_19 = arith.addi %add3A_16, %add3A_18 : vector<16xi32>
    %gather3A = tpu.vector_load_idx %arg7[%add3A_19] : memref<1032xi32, #tpu.memory_space<vmem>>[vector<16xi32>], vector<16xi32>,
    %add3A_20 = arith.constant 8 : i32
    %add3A_21 = vector.broadcast %add3A_20 : i32 to vector<16xi32>
    %add3A_22 = arith.addi %add3A_16, %add3A_21 : vector<16xi32>
    %gather3A_23 = tpu.vector_load_idx %arg7[%add3A_22] : memref<1032xi32, #tpu.memory_space<vmem>>[vector<16xi32>], vector<16xi32>,
    %add3A_24 = arith.constant 9 : i32
    %add3A_25 = vector.broadcast %add3A_24 : i32 to vector<16xi32>
    %add3A_26 = arith.addi %add3A_16, %add3A_25 : vector<16xi32>
    %gather3A_27 = tpu.vector_load_idx %arg7[%add3A_26] : memref<1032xi32, #tpu.memory_space<vmem>>[vector<16xi32>], vector<16xi32>,
    %swap3A = arith.constant 0 : i32
    %swap3A_28 = arith.index_cast %swap3A : i32 to index
    %swap3A_29 = arith.constant 0 : index
    %swap3A_30 = tpu.vector_load %arg8[%swap3A_28, %swap3A_29] {strides = array<i32>} : memref<4x128xi32, #tpu.memory_space<vmem>>, vector<16xi32>,
    tpu.vector_store %arg8[%swap3A_28, %swap3A_29], %gather3A_23 {strides = array<i32>} : memref<4x128xi32, #tpu.memory_space<vmem>>, vector<16xi32>,
    %swap3A_31 = arith.constant 0 : i32
    %swap3A_32 = arith.index_cast %swap3A_31 : i32 to index
    %swap3A_33 = arith.constant 0 : index
    %swap3A_34 = tpu.vector_load %arg9[%swap3A_32, %swap3A_33] {strides = array<i32>} : memref<4x128xi32, #tpu.memory_space<vmem>>, vector<16xi32>,
    tpu.vector_store %arg9[%swap3A_32, %swap3A_33], %gather3A_27 {strides = array<i32>} : memref<4x128xi32, #tpu.memory_space<vmem>>, vector<16xi32>,
    %swap3A_35 = arith.constant 0 : i32
    %swap3A_36 = arith.index_cast %swap3A_35 : i32 to index
    %swap3A_37 = arith.constant 0 : index
    %swap3A_38 = tpu.vector_load %arg10[%swap3A_36, %swap3A_37] {strides = array<i32>} : memref<4x128xi32, #tpu.memory_space<vmem>>, vector<16xi32>,
    tpu.vector_store %arg10[%swap3A_36, %swap3A_37], %gather3A {strides = array<i32>} : memref<4x128xi32, #tpu.memory_space<vmem>>, vector<16xi32>,
    %mul3A_39 = arith.constant 2 : i32
    %mul3A_40 = vector.broadcast %mul3A_39 : i32 to vector<16xi32>
    %mul3A_41 = arith.muli %mul3A_40, %iota3A : vector<16xi32>
    %add3A_42 = arith.constant 32 : i32
    %add3A_43 = vector.broadcast %add3A_42 : i32 to vector<16xi32>
    %add3A_44 = arith.addi %add3A_43, %mul3A_41 : vector<16xi32>
    %add3A_45 = arith.constant 7 : i32
    %add3A_46 = vector.broadcast %add3A_45 : i32 to vector<16xi32>
    %add3A_47 = arith.addi %add3A_44, %add3A_46 : vector<16xi32>
    %gather3A_48 = tpu.vector_load_idx %arg7[%add3A_47] : memref<1032xi32, #tpu.memory_space<vmem>>[vector<16xi32>], vector<16xi32>,
    %add3A_49 = arith.constant 8 : i32
    %add3A_50 = vector.broadcast %add3A_49 : i32 to vector<16xi32>
    %add3A_51 = arith.addi %add3A_44, %add3A_50 : vector<16xi32>
    %gather3A_52 = tpu.vector_load_idx %arg7[%add3A_51] : memref<1032xi32, #tpu.memory_space<vmem>>[vector<16xi32>], vector<16xi32>,
    %add3A_53 = arith.constant 9 : i32
    %add3A_54 = vector.broadcast %add3A_53 : i32 to vector<16xi32>
    %add3A_55 = arith.addi %add3A_44, %add3A_54 : vector<16xi32>
    %gather3A_56 = tpu.vector_load_idx %arg7[%add3A_55] : memref<1032xi32, #tpu.memory_space<vmem>>[vector<16xi32>], vector<16xi32>,
    %swap3A_57 = arith.constant 0 : i32
    %swap3A_58 = arith.index_cast %swap3A_57 : i32 to index
    %swap3A_59 = arith.constant 16 : index
    %swap3A_60 = tpu.vector_load %arg8[%swap3A_58, %swap3A_59] {strides = array<i32>} : memref<4x128xi32, #tpu.memory_space<vmem>>, vector<16xi32>,
    tpu.vector_store %arg8[%swap3A_58, %swap3A_59], %gather3A_52 {strides = array<i32>} : memref<4x128xi32, #tpu.memory_space<vmem>>, vector<16xi32>,
    %swap3A_61 = arith.constant 0 : i32
    %swap3A_62 = arith.index_cast %swap3A_61 : i32 to index
    %swap3A_63 = arith.constant 16 : index
    %swap3A_64 = tpu.vector_load %arg9[%swap3A_62, %swap3A_63] {strides = array<i32>} : memref<4x128xi32, #tpu.memory_space<vmem>>, vector<16xi32>,
    tpu.vector_store %arg9[%swap3A_62, %swap3A_63], %gather3A_56 {strides = array<i32>} : memref<4x128xi32, #tpu.memory_space<vmem>>, vector<16xi32>,
    %swap3A_65 = arith.constant 0 : i32
    %swap3A_66 = arith.index_cast %swap3A_65 : i32 to index
    %swap3A_67 = arith.constant 16 : index
    %swap3A_68 = tpu.vector_load %arg10[%swap3A_66, %swap3A_67] {strides = array<i32>} : memref<4x128xi32, #tpu.memory_space<vmem>>, vector<16xi32>,
    tpu.vector_store %arg10[%swap3A_66, %swap3A_67], %gather3A_48 {strides = array<i32>} : memref<4x128xi32, #tpu.memory_space<vmem>>, vector<16xi32>,
    %mul3A_69 = arith.constant 2 : i32
    %mul3A_70 = vector.broadcast %mul3A_69 : i32 to vector<16xi32>
    %mul3A_71 = arith.muli %mul3A_70, %iota3A : vector<16xi32>
    %add3A_72 = arith.constant 64 : i32
    %add3A_73 = vector.broadcast %add3A_72 : i32 to vector<16xi32>
    %add3A_74 = arith.addi %add3A_73, %mul3A_71 : vector<16xi32>
    %add3A_75 = arith.constant 7 : i32
    %add3A_76 = vector.broadcast %add3A_75 : i32 to vector<16xi32>
    %add3A_77 = arith.addi %add3A_74, %add3A_76 : vector<16xi32>
    %gather3A_78 = tpu.vector_load_idx %arg7[%add3A_77] : memref<1032xi32, #tpu.memory_space<vmem>>[vector<16xi32>], vector<16xi32>,
    %add3A_79 = arith.constant 8 : i32
    %add3A_80 = vector.broadcast %add3A_79 : i32 to vector<16xi32>
    %add3A_81 = arith.addi %add3A_74, %add3A_80 : vector<16xi32>
    %gather3A_82 = tpu.vector_load_idx %arg7[%add3A_81] : memref<1032xi32, #tpu.memory_space<vmem>>[vector<16xi32>], vector<16xi32>,
    %add3A_83 = arith.constant 9 : i32
    %add3A_84 = vector.broadcast %add3A_83 : i32 to vector<16xi32>
    %add3A_85 = arith.addi %add3A_74, %add3A_84 : vector<16xi32>
    %gather3A_86 = tpu.vector_load_idx %arg7[%add3A_85] : memref<1032xi32, #tpu.memory_space<vmem>>[vector<16xi32>], vector<16xi32>,
    %swap3A_87 = arith.constant 0 : i32
    %swap3A_88 = arith.index_cast %swap3A_87 : i32 to index
    %swap3A_89 = arith.constant 32 : index
    %swap3A_90 = tpu.vector_load %arg8[%swap3A_88, %swap3A_89] {strides = array<i32>} : memref<4x128xi32, #tpu.memory_space<vmem>>, vector<16xi32>,
    tpu.vector_store %arg8[%swap3A_88, %swap3A_89], %gather3A_82 {strides = array<i32>} : memref<4x128xi32, #tpu.memory_space<vmem>>, vector<16xi32>,
    %swap3A_91 = arith.constant 0 : i32
    %swap3A_92 = arith.index_cast %swap3A_91 : i32 to index
    %swap3A_93 = arith.constant 32 : index
    %swap3A_94 = tpu.vector_load %arg9[%swap3A_92, %swap3A_93] {strides = array<i32>} : memref<4x128xi32, #tpu.memory_space<vmem>>, vector<16xi32>,
    tpu.vector_store %arg9[%swap3A_92, %swap3A_93], %gather3A_86 {strides = array<i32>} : memref<4x128xi32, #tpu.memory_space<vmem>>, vector<16xi32>,
    %swap3A_95 = arith.constant 0 : i32
    %swap3A_96 = arith.index_cast %swap3A_95 : i32 to index
    %swap3A_97 = arith.constant 32 : index
    %swap3A_98 = tpu.vector_load %arg10[%swap3A_96, %swap3A_97] {strides = array<i32>} : memref<4x128xi32, #tpu.memory_space<vmem>>, vector<16xi32>,
    tpu.vector_store %arg10[%swap3A_96, %swap3A_97], %gather3A_78 {strides = array<i32>} : memref<4x128xi32, #tpu.memory_space<vmem>>, vector<16xi32>,
    %mul3A_99 = arith.constant 2 : i32
    %mul3A_100 = vector.broadcast %mul3A_99 : i32 to vector<16xi32>
    %mul3A_101 = arith.muli %mul3A_100, %iota3A : vector<16xi32>
    %add3A_102 = arith.constant 96 : i32
    %add3A_103 = vector.broadcast %add3A_102 : i32 to vector<16xi32>
    %add3A_104 = arith.addi %add3A_103, %mul3A_101 : vector<16xi32>
    %add3A_105 = arith.constant 7 : i32
    %add3A_106 = vector.broadcast %add3A_105 : i32 to vector<16xi32>
    %add3A_107 = arith.addi %add3A_104, %add3A_106 : vector<16xi32>
    %gather3A_108 = tpu.vector_load_idx %arg7[%add3A_107] : memref<1032xi32, #tpu.memory_space<vmem>>[vector<16xi32>], vector<16xi32>,
    %add3A_109 = arith.constant 8 : i32
    %add3A_110 = vector.broadcast %add3A_109 : i32 to vector<16xi32>
    %add3A_111 = arith.addi %add3A_104, %add3A_110 : vector<16xi32>
    %gather3A_112 = tpu.vector_load_idx %arg7[%add3A_111] : memref<1032xi32, #tpu.memory_space<vmem>>[vector<16xi32>], vector<16xi32>,
    %add3A_113 = arith.constant 9 : i32
    %add3A_114 = vector.broadcast %add3A_113 : i32 to vector<16xi32>
    %add3A_115 = arith.addi %add3A_104, %add3A_114 : vector<16xi32>
    %gather3A_116 = tpu.vector_load_idx %arg7[%add3A_115] : memref<1032xi32, #tpu.memory_space<vmem>>[vector<16xi32>], vector<16xi32>,
    %swap3A_117 = arith.constant 0 : i32
    %swap3A_118 = arith.index_cast %swap3A_117 : i32 to index
    %swap3A_119 = arith.constant 48 : index
    %swap3A_120 = tpu.vector_load %arg8[%swap3A_118, %swap3A_119] {strides = array<i32>} : memref<4x128xi32, #tpu.memory_space<vmem>>, vector<16xi32>,
    tpu.vector_store %arg8[%swap3A_118, %swap3A_119], %gather3A_112 {strides = array<i32>} : memref<4x128xi32, #tpu.memory_space<vmem>>, vector<16xi32>,
    %swap3A_121 = arith.constant 0 : i32
    %swap3A_122 = arith.index_cast %swap3A_121 : i32 to index
    %swap3A_123 = arith.constant 48 : index
    %swap3A_124 = tpu.vector_load %arg9[%swap3A_122, %swap3A_123] {strides = array<i32>} : memref<4x128xi32, #tpu.memory_space<vmem>>, vector<16xi32>,
    tpu.vector_store %arg9[%swap3A_122, %swap3A_123], %gather3A_116 {strides = array<i32>} : memref<4x128xi32, #tpu.memory_space<vmem>>, vector<16xi32>,
    %swap3A_125 = arith.constant 0 : i32
    %swap3A_126 = arith.index_cast %swap3A_125 : i32 to index
    %swap3A_127 = arith.constant 48 : index
    %swap3A_128 = tpu.vector_load %arg10[%swap3A_126, %swap3A_127] {strides = array<i32>} : memref<4x128xi32, #tpu.memory_space<vmem>>, vector<16xi32>,
    tpu.vector_store %arg10[%swap3A_126, %swap3A_127], %gather3A_108 {strides = array<i32>} : memref<4x128xi32, #tpu.memory_space<vmem>>, vector<16xi32>,
    %mul3A_129 = arith.constant 2 : i32
    %mul3A_130 = vector.broadcast %mul3A_129 : i32 to vector<16xi32>
    %mul3A_131 = arith.muli %mul3A_130, %iota3A : vector<16xi32>
    %add3A_132 = arith.constant 128 : i32
    %add3A_133 = vector.broadcast %add3A_132 : i32 to vector<16xi32>
    %add3A_134 = arith.addi %add3A_133, %mul3A_131 : vector<16xi32>
    %add3A_135 = arith.constant 7 : i32
    %add3A_136 = vector.broadcast %add3A_135 : i32 to vector<16xi32>
    %add3A_137 = arith.addi %add3A_134, %add3A_136 : vector<16xi32>
    %gather3A_138 = tpu.vector_load_idx %arg7[%add3A_137] : memref<1032xi32, #tpu.memory_space<vmem>>[vector<16xi32>], vector<16xi32>,
    %add3A_139 = arith.constant 8 : i32
    %add3A_140 = vector.broadcast %add3A_139 : i32 to vector<16xi32>
    %add3A_141 = arith.addi %add3A_134, %add3A_140 : vector<16xi32>
    %gather3A_142 = tpu.vector_load_idx %arg7[%add3A_141] : memref<1032xi32, #tpu.memory_space<vmem>>[vector<16xi32>], vector<16xi32>,
    %add3A_143 = arith.constant 9 : i32
    %add3A_144 = vector.broadcast %add3A_143 : i32 to vector<16xi32>
    %add3A_145 = arith.addi %add3A_134, %add3A_144 : vector<16xi32>
    %gather3A_146 = tpu.vector_load_idx %arg7[%add3A_145] : memref<1032xi32, #tpu.memory_space<vmem>>[vector<16xi32>], vector<16xi32>,
    %swap3A_147 = arith.constant 0 : i32
    %swap3A_148 = arith.index_cast %swap3A_147 : i32 to index
    %swap3A_149 = arith.constant 64 : index
    %swap3A_150 = tpu.vector_load %arg8[%swap3A_148, %swap3A_149] {strides = array<i32>} : memref<4x128xi32, #tpu.memory_space<vmem>>, vector<16xi32>,
    tpu.vector_store %arg8[%swap3A_148, %swap3A_149], %gather3A_142 {strides = array<i32>} : memref<4x128xi32, #tpu.memory_space<vmem>>, vector<16xi32>,
    %swap3A_151 = arith.constant 0 : i32
    %swap3A_152 = arith.index_cast %swap3A_151 : i32 to index
    %swap3A_153 = arith.constant 64 : index
    %swap3A_154 = tpu.vector_load %arg9[%swap3A_152, %swap3A_153] {strides = array<i32>} : memref<4x128xi32, #tpu.memory_space<vmem>>, vector<16xi32>,
    tpu.vector_store %arg9[%swap3A_152, %swap3A_153], %gather3A_146 {strides = array<i32>} : memref<4x128xi32, #tpu.memory_space<vmem>>, vector<16xi32>,
    %swap3A_155 = arith.constant 0 : i32
    %swap3A_156 = arith.index_cast %swap3A_155 : i32 to index
    %swap3A_157 = arith.constant 64 : index
    %swap3A_158 = tpu.vector_load %arg10[%swap3A_156, %swap3A_157] {strides = array<i32>} : memref<4x128xi32, #tpu.memory_space<vmem>>, vector<16xi32>,
    tpu.vector_store %arg10[%swap3A_156, %swap3A_157], %gather3A_138 {strides = array<i32>} : memref<4x128xi32, #tpu.memory_space<vmem>>, vector<16xi32>,
    %mul3A_159 = arith.constant 2 : i32
    %mul3A_160 = vector.broadcast %mul3A_159 : i32 to vector<16xi32>
    %mul3A_161 = arith.muli %mul3A_160, %iota3A : vector<16xi32>
    %add3A_162 = arith.constant 160 : i32
    %add3A_163 = vector.broadcast %add3A_162 : i32 to vector<16xi32>
    %add3A_164 = arith.addi %add3A_163, %mul3A_161 : vector<16xi32>
    %add3A_165 = arith.constant 7 : i32
    %add3A_166 = vector.broadcast %add3A_165 : i32 to vector<16xi32>
    %add3A_167 = arith.addi %add3A_164, %add3A_166 : vector<16xi32>
    %gather3A_168 = tpu.vector_load_idx %arg7[%add3A_167] : memref<1032xi32, #tpu.memory_space<vmem>>[vector<16xi32>], vector<16xi32>,
    %add3A_169 = arith.constant 8 : i32
    %add3A_170 = vector.broadcast %add3A_169 : i32 to vector<16xi32>
    %add3A_171 = arith.addi %add3A_164, %add3A_170 : vector<16xi32>
    %gather3A_172 = tpu.vector_load_idx %arg7[%add3A_171] : memref<1032xi32, #tpu.memory_space<vmem>>[vector<16xi32>], vector<16xi32>,
    %add3A_173 = arith.constant 9 : i32
    %add3A_174 = vector.broadcast %add3A_173 : i32 to vector<16xi32>
    %add3A_175 = arith.addi %add3A_164, %add3A_174 : vector<16xi32>
    %gather3A_176 = tpu.vector_load_idx %arg7[%add3A_175] : memref<1032xi32, #tpu.memory_space<vmem>>[vector<16xi32>], vector<16xi32>,
    %swap3A_177 = arith.constant 0 : i32
    %swap3A_178 = arith.index_cast %swap3A_177 : i32 to index
    %swap3A_179 = arith.constant 80 : index
    %swap3A_180 = tpu.vector_load %arg8[%swap3A_178, %swap3A_179] {strides = array<i32>} : memref<4x128xi32, #tpu.memory_space<vmem>>, vector<16xi32>,
    tpu.vector_store %arg8[%swap3A_178, %swap3A_179], %gather3A_172 {strides = array<i32>} : memref<4x128xi32, #tpu.memory_space<vmem>>, vector<16xi32>,
    %swap3A_181 = arith.constant 0 : i32
    %swap3A_182 = arith.index_cast %swap3A_181 : i32 to index
    %swap3A_183 = arith.constant 80 : index
    %swap3A_184 = tpu.vector_load %arg9[%swap3A_182, %swap3A_183] {strides = array<i32>} : memref<4x128xi32, #tpu.memory_space<vmem>>, vector<16xi32>,
    tpu.vector_store %arg9[%swap3A_182, %swap3A_183], %gather3A_176 {strides = array<i32>} : memref<4x128xi32, #tpu.memory_space<vmem>>, vector<16xi32>,
    %swap3A_185 = arith.constant 0 : i32
    %swap3A_186 = arith.index_cast %swap3A_185 : i32 to index
    %swap3A_187 = arith.constant 80 : index
    %swap3A_188 = tpu.vector_load %arg10[%swap3A_186, %swap3A_187] {strides = array<i32>} : memref<4x128xi32, #tpu.memory_space<vmem>>, vector<16xi32>,
    tpu.vector_store %arg10[%swap3A_186, %swap3A_187], %gather3A_168 {strides = array<i32>} : memref<4x128xi32, #tpu.memory_space<vmem>>, vector<16xi32>,
    %mul3A_189 = arith.constant 2 : i32
    %mul3A_190 = vector.broadcast %mul3A_189 : i32 to vector<16xi32>
    %mul3A_191 = arith.muli %mul3A_190, %iota3A : vector<16xi32>
    %add3A_192 = arith.constant 192 : i32
    %add3A_193 = vector.broadcast %add3A_192 : i32 to vector<16xi32>
    %add3A_194 = arith.addi %add3A_193, %mul3A_191 : vector<16xi32>
    %add3A_195 = arith.constant 7 : i32
    %add3A_196 = vector.broadcast %add3A_195 : i32 to vector<16xi32>
    %add3A_197 = arith.addi %add3A_194, %add3A_196 : vector<16xi32>
    %gather3A_198 = tpu.vector_load_idx %arg7[%add3A_197] : memref<1032xi32, #tpu.memory_space<vmem>>[vector<16xi32>], vector<16xi32>,
    %add3A_199 = arith.constant 8 : i32
    %add3A_200 = vector.broadcast %add3A_199 : i32 to vector<16xi32>
    %add3A_201 = arith.addi %add3A_194, %add3A_200 : vector<16xi32>
    %gather3A_202 = tpu.vector_load_idx %arg7[%add3A_201] : memref<1032xi32, #tpu.memory_space<vmem>>[vector<16xi32>], vector<16xi32>,
    %add3A_203 = arith.constant 9 : i32
    %add3A_204 = vector.broadcast %add3A_203 : i32 to vector<16xi32>
    %add3A_205 = arith.addi %add3A_194, %add3A_204 : vector<16xi32>
    %gather3A_206 = tpu.vector_load_idx %arg7[%add3A_205] : memref<1032xi32, #tpu.memory_space<vmem>>[vector<16xi32>], vector<16xi32>,
    %swap3A_207 = arith.constant 0 : i32
    %swap3A_208 = arith.index_cast %swap3A_207 : i32 to index
    %swap3A_209 = arith.constant 96 : index
    %swap3A_210 = tpu.vector_load %arg8[%swap3A_208, %swap3A_209] {strides = array<i32>} : memref<4x128xi32, #tpu.memory_space<vmem>>, vector<16xi32>,
    tpu.vector_store %arg8[%swap3A_208, %swap3A_209], %gather3A_202 {strides = array<i32>} : memref<4x128xi32, #tpu.memory_space<vmem>>, vector<16xi32>,
    %swap3A_211 = arith.constant 0 : i32
    %swap3A_212 = arith.index_cast %swap3A_211 : i32 to index
    %swap3A_213 = arith.constant 96 : index
    %swap3A_214 = tpu.vector_load %arg9[%swap3A_212, %swap3A_213] {strides = array<i32>} : memref<4x128xi32, #tpu.memory_space<vmem>>, vector<16xi32>,
    tpu.vector_store %arg9[%swap3A_212, %swap3A_213], %gather3A_206 {strides = array<i32>} : memref<4x128xi32, #tpu.memory_space<vmem>>, vector<16xi32>,
    %swap3A_215 = arith.constant 0 : i32
    %swap3A_216 = arith.index_cast %swap3A_215 : i32 to index
    %swap3A_217 = arith.constant 96 : index
    %swap3A_218 = tpu.vector_load %arg10[%swap3A_216, %swap3A_217] {strides = array<i32>} : memref<4x128xi32, #tpu.memory_space<vmem>>, vector<16xi32>,
    tpu.vector_store %arg10[%swap3A_216, %swap3A_217], %gather3A_198 {strides = array<i32>} : memref<4x128xi32, #tpu.memory_space<vmem>>, vector<16xi32>,
    %mul3A_219 = arith.constant 2 : i32
    %mul3A_220 = vector.broadcast %mul3A_219 : i32 to vector<16xi32>
    %mul3A_221 = arith.muli %mul3A_220, %iota3A : vector<16xi32>
    %add3A_222 = arith.constant 224 : i32
    %add3A_223 = vector.broadcast %add3A_222 : i32 to vector<16xi32>
    %add3A_224 = arith.addi %add3A_223, %mul3A_221 : vector<16xi32>
    %add3A_225 = arith.constant 7 : i32
    %add3A_226 = vector.broadcast %add3A_225 : i32 to vector<16xi32>
    %add3A_227 = arith.addi %add3A_224, %add3A_226 : vector<16xi32>
    %gather3A_228 = tpu.vector_load_idx %arg7[%add3A_227] : memref<1032xi32, #tpu.memory_space<vmem>>[vector<16xi32>], vector<16xi32>,
    %add3A_229 = arith.constant 8 : i32
    %add3A_230 = vector.broadcast %add3A_229 : i32 to vector<16xi32>
    %add3A_231 = arith.addi %add3A_224, %add3A_230 : vector<16xi32>
    %gather3A_232 = tpu.vector_load_idx %arg7[%add3A_231] : memref<1032xi32, #tpu.memory_space<vmem>>[vector<16xi32>], vector<16xi32>,
    %add3A_233 = arith.constant 9 : i32
    %add3A_234 = vector.broadcast %add3A_233 : i32 to vector<16xi32>
    %add3A_235 = arith.addi %add3A_224, %add3A_234 : vector<16xi32>
    %gather3A_236 = tpu.vector_load_idx %arg7[%add3A_235] : memref<1032xi32, #tpu.memory_space<vmem>>[vector<16xi32>], vector<16xi32>,
    %swap3A_237 = arith.constant 0 : i32
    %swap3A_238 = arith.index_cast %swap3A_237 : i32 to index
    %swap3A_239 = arith.constant 112 : index
    %swap3A_240 = tpu.vector_load %arg8[%swap3A_238, %swap3A_239] {strides = array<i32>} : memref<4x128xi32, #tpu.memory_space<vmem>>, vector<16xi32>,
    tpu.vector_store %arg8[%swap3A_238, %swap3A_239], %gather3A_232 {strides = array<i32>} : memref<4x128xi32, #tpu.memory_space<vmem>>, vector<16xi32>,
    %swap3A_241 = arith.constant 0 : i32
    %swap3A_242 = arith.index_cast %swap3A_241 : i32 to index
    %swap3A_243 = arith.constant 112 : index
    %swap3A_244 = tpu.vector_load %arg9[%swap3A_242, %swap3A_243] {strides = array<i32>} : memref<4x128xi32, #tpu.memory_space<vmem>>, vector<16xi32>,
    tpu.vector_store %arg9[%swap3A_242, %swap3A_243], %gather3A_236 {strides = array<i32>} : memref<4x128xi32, #tpu.memory_space<vmem>>, vector<16xi32>,
    %swap3A_245 = arith.constant 0 : i32
    %swap3A_246 = arith.index_cast %swap3A_245 : i32 to index
    %swap3A_247 = arith.constant 112 : index
    %swap3A_248 = tpu.vector_load %arg10[%swap3A_246, %swap3A_247] {strides = array<i32>} : memref<4x128xi32, #tpu.memory_space<vmem>>, vector<16xi32>,
    tpu.vector_store %arg10[%swap3A_246, %swap3A_247], %gather3A_228 {strides = array<i32>} : memref<4x128xi32, #tpu.memory_space<vmem>>, vector<16xi32>,
    %mul3A_249 = arith.constant 2 : i32
    %mul3A_250 = vector.broadcast %mul3A_249 : i32 to vector<16xi32>
    %mul3A_251 = arith.muli %mul3A_250, %iota3A : vector<16xi32>
    %add3A_252 = arith.constant 256 : i32
    %add3A_253 = vector.broadcast %add3A_252 : i32 to vector<16xi32>
    %add3A_254 = arith.addi %add3A_253, %mul3A_251 : vector<16xi32>
    %add3A_255 = arith.constant 7 : i32
    %add3A_256 = vector.broadcast %add3A_255 : i32 to vector<16xi32>
    %add3A_257 = arith.addi %add3A_254, %add3A_256 : vector<16xi32>
    %gather3A_258 = tpu.vector_load_idx %arg7[%add3A_257] : memref<1032xi32, #tpu.memory_space<vmem>>[vector<16xi32>], vector<16xi32>,
    %add3A_259 = arith.constant 8 : i32
    %add3A_260 = vector.broadcast %add3A_259 : i32 to vector<16xi32>
    %add3A_261 = arith.addi %add3A_254, %add3A_260 : vector<16xi32>
    %gather3A_262 = tpu.vector_load_idx %arg7[%add3A_261] : memref<1032xi32, #tpu.memory_space<vmem>>[vector<16xi32>], vector<16xi32>,
    %add3A_263 = arith.constant 9 : i32
    %add3A_264 = vector.broadcast %add3A_263 : i32 to vector<16xi32>
    %add3A_265 = arith.addi %add3A_254, %add3A_264 : vector<16xi32>
    %gather3A_266 = tpu.vector_load_idx %arg7[%add3A_265] : memref<1032xi32, #tpu.memory_space<vmem>>[vector<16xi32>], vector<16xi32>,
    %swap3A_267 = arith.constant 1 : i32
    %swap3A_268 = arith.index_cast %swap3A_267 : i32 to index
    %swap3A_269 = arith.constant 0 : index
    %swap3A_270 = tpu.vector_load %arg8[%swap3A_268, %swap3A_269] {strides = array<i32>} : memref<4x128xi32, #tpu.memory_space<vmem>>, vector<16xi32>,
    tpu.vector_store %arg8[%swap3A_268, %swap3A_269], %gather3A_262 {strides = array<i32>} : memref<4x128xi32, #tpu.memory_space<vmem>>, vector<16xi32>,
    %swap3A_271 = arith.constant 1 : i32
    %swap3A_272 = arith.index_cast %swap3A_271 : i32 to index
    %swap3A_273 = arith.constant 0 : index
    %swap3A_274 = tpu.vector_load %arg9[%swap3A_272, %swap3A_273] {strides = array<i32>} : memref<4x128xi32, #tpu.memory_space<vmem>>, vector<16xi32>,
    tpu.vector_store %arg9[%swap3A_272, %swap3A_273], %gather3A_266 {strides = array<i32>} : memref<4x128xi32, #tpu.memory_space<vmem>>, vector<16xi32>,
    %swap3A_275 = arith.constant 1 : i32
    %swap3A_276 = arith.index_cast %swap3A_275 : i32 to index
    %swap3A_277 = arith.constant 0 : index
    %swap3A_278 = tpu.vector_load %arg10[%swap3A_276, %swap3A_277] {strides = array<i32>} : memref<4x128xi32, #tpu.memory_space<vmem>>, vector<16xi32>,
    tpu.vector_store %arg10[%swap3A_276, %swap3A_277], %gather3A_258 {strides = array<i32>} : memref<4x128xi32, #tpu.memory_space<vmem>>, vector<16xi32>,
    %mul3A_279 = arith.constant 2 : i32
    %mul3A_280 = vector.broadcast %mul3A_279 : i32 to vector<16xi32>
    %mul3A_281 = arith.muli %mul3A_280, %iota3A : vector<16xi32>
    %add3A_282 = arith.constant 288 : i32
    %add3A_283 = vector.broadcast %add3A_282 : i32 to vector<16xi32>
    %add3A_284 = arith.addi %add3A_283, %mul3A_281 : vector<16xi32>
    %add3A_285 = arith.constant 7 : i32
    %add3A_286 = vector.broadcast %add3A_285 : i32 to vector<16xi32>
    %add3A_287 = arith.addi %add3A_284, %add3A_286 : vector<16xi32>
    %gather3A_288 = tpu.vector_load_idx %arg7[%add3A_287] : memref<1032xi32, #tpu.memory_space<vmem>>[vector<16xi32>], vector<16xi32>,
    %add3A_289 = arith.constant 8 : i32
    %add3A_290 = vector.broadcast %add3A_289 : i32 to vector<16xi32>
    %add3A_291 = arith.addi %add3A_284, %add3A_290 : vector<16xi32>
    %gather3A_292 = tpu.vector_load_idx %arg7[%add3A_291] : memref<1032xi32, #tpu.memory_space<vmem>>[vector<16xi32>], vector<16xi32>,
    %add3A_293 = arith.constant 9 : i32
    %add3A_294 = vector.broadcast %add3A_293 : i32 to vector<16xi32>
    %add3A_295 = arith.addi %add3A_284, %add3A_294 : vector<16xi32>
    %gather3A_296 = tpu.vector_load_idx %arg7[%add3A_295] : memref<1032xi32, #tpu.memory_space<vmem>>[vector<16xi32>], vector<16xi32>,
    %swap3A_297 = arith.constant 1 : i32
    %swap3A_298 = arith.index_cast %swap3A_297 : i32 to index
    %swap3A_299 = arith.constant 16 : index
    %swap3A_300 = tpu.vector_load %arg8[%swap3A_298, %swap3A_299] {strides = array<i32>} : memref<4x128xi32, #tpu.memory_space<vmem>>, vector<16xi32>,
    tpu.vector_store %arg8[%swap3A_298, %swap3A_299], %gather3A_292 {strides = array<i32>} : memref<4x128xi32, #tpu.memory_space<vmem>>, vector<16xi32>,
    %swap3A_301 = arith.constant 1 : i32
    %swap3A_302 = arith.index_cast %swap3A_301 : i32 to index
    %swap3A_303 = arith.constant 16 : index
    %swap3A_304 = tpu.vector_load %arg9[%swap3A_302, %swap3A_303] {strides = array<i32>} : memref<4x128xi32, #tpu.memory_space<vmem>>, vector<16xi32>,
    tpu.vector_store %arg9[%swap3A_302, %swap3A_303], %gather3A_296 {strides = array<i32>} : memref<4x128xi32, #tpu.memory_space<vmem>>, vector<16xi32>,
    %swap3A_305 = arith.constant 1 : i32
    %swap3A_306 = arith.index_cast %swap3A_305 : i32 to index
    %swap3A_307 = arith.constant 16 : index
    %swap3A_308 = tpu.vector_load %arg10[%swap3A_306, %swap3A_307] {strides = array<i32>} : memref<4x128xi32, #tpu.memory_space<vmem>>, vector<16xi32>,
    tpu.vector_store %arg10[%swap3A_306, %swap3A_307], %gather3A_288 {strides = array<i32>} : memref<4x128xi32, #tpu.memory_space<vmem>>, vector<16xi32>,
    %mul3A_309 = arith.constant 2 : i32
    %mul3A_310 = vector.broadcast %mul3A_309 : i32 to vector<16xi32>
    %mul3A_311 = arith.muli %mul3A_310, %iota3A : vector<16xi32>
    %add3A_312 = arith.constant 320 : i32
    %add3A_313 = vector.broadcast %add3A_312 : i32 to vector<16xi32>
    %add3A_314 = arith.addi %add3A_313, %mul3A_311 : vector<16xi32>
    %add3A_315 = arith.constant 7 : i32
    %add3A_316 = vector.broadcast %add3A_315 : i32 to vector<16xi32>
    %add3A_317 = arith.addi %add3A_314, %add3A_316 : vector<16xi32>
    %gather3A_318 = tpu.vector_load_idx %arg7[%add3A_317] : memref<1032xi32, #tpu.memory_space<vmem>>[vector<16xi32>], vector<16xi32>,
    %add3A_319 = arith.constant 8 : i32
    %add3A_320 = vector.broadcast %add3A_319 : i32 to vector<16xi32>
    %add3A_321 = arith.addi %add3A_314, %add3A_320 : vector<16xi32>
    %gather3A_322 = tpu.vector_load_idx %arg7[%add3A_321] : memref<1032xi32, #tpu.memory_space<vmem>>[vector<16xi32>], vector<16xi32>,
    %add3A_323 = arith.constant 9 : i32
    %add3A_324 = vector.broadcast %add3A_323 : i32 to vector<16xi32>
    %add3A_325 = arith.addi %add3A_314, %add3A_324 : vector<16xi32>
    %gather3A_326 = tpu.vector_load_idx %arg7[%add3A_325] : memref<1032xi32, #tpu.memory_space<vmem>>[vector<16xi32>], vector<16xi32>,
    %swap3A_327 = arith.constant 1 : i32
    %swap3A_328 = arith.index_cast %swap3A_327 : i32 to index
    %swap3A_329 = arith.constant 32 : index
    %swap3A_330 = tpu.vector_load %arg8[%swap3A_328, %swap3A_329] {strides = array<i32>} : memref<4x128xi32, #tpu.memory_space<vmem>>, vector<16xi32>,
    tpu.vector_store %arg8[%swap3A_328, %swap3A_329], %gather3A_322 {strides = array<i32>} : memref<4x128xi32, #tpu.memory_space<vmem>>, vector<16xi32>,
    %swap3A_331 = arith.constant 1 : i32
    %swap3A_332 = arith.index_cast %swap3A_331 : i32 to index
    %swap3A_333 = arith.constant 32 : index
    %swap3A_334 = tpu.vector_load %arg9[%swap3A_332, %swap3A_333] {strides = array<i32>} : memref<4x128xi32, #tpu.memory_space<vmem>>, vector<16xi32>,
    tpu.vector_store %arg9[%swap3A_332, %swap3A_333], %gather3A_326 {strides = array<i32>} : memref<4x128xi32, #tpu.memory_space<vmem>>, vector<16xi32>,
    %swap3A_335 = arith.constant 1 : i32
    %swap3A_336 = arith.index_cast %swap3A_335 : i32 to index
    %swap3A_337 = arith.constant 32 : index
    %swap3A_338 = tpu.vector_load %arg10[%swap3A_336, %swap3A_337] {strides = array<i32>} : memref<4x128xi32, #tpu.memory_space<vmem>>, vector<16xi32>,
    tpu.vector_store %arg10[%swap3A_336, %swap3A_337], %gather3A_318 {strides = array<i32>} : memref<4x128xi32, #tpu.memory_space<vmem>>, vector<16xi32>,
    %mul3A_339 = arith.constant 2 : i32
    %mul3A_340 = vector.broadcast %mul3A_339 : i32 to vector<16xi32>
    %mul3A_341 = arith.muli %mul3A_340, %iota3A : vector<16xi32>
    %add3A_342 = arith.constant 352 : i32
    %add3A_343 = vector.broadcast %add3A_342 : i32 to vector<16xi32>
    %add3A_344 = arith.addi %add3A_343, %mul3A_341 : vector<16xi32>
    %add3A_345 = arith.constant 7 : i32
    %add3A_346 = vector.broadcast %add3A_345 : i32 to vector<16xi32>
    %add3A_347 = arith.addi %add3A_344, %add3A_346 : vector<16xi32>
    %gather3A_348 = tpu.vector_load_idx %arg7[%add3A_347] : memref<1032xi32, #tpu.memory_space<vmem>>[vector<16xi32>], vector<16xi32>,
    %add3A_349 = arith.constant 8 : i32
    %add3A_350 = vector.broadcast %add3A_349 : i32 to vector<16xi32>
    %add3A_351 = arith.addi %add3A_344, %add3A_350 : vector<16xi32>
    %gather3A_352 = tpu.vector_load_idx %arg7[%add3A_351] : memref<1032xi32, #tpu.memory_space<vmem>>[vector<16xi32>], vector<16xi32>,
    %add3A_353 = arith.constant 9 : i32
    %add3A_354 = vector.broadcast %add3A_353 : i32 to vector<16xi32>
    %add3A_355 = arith.addi %add3A_344, %add3A_354 : vector<16xi32>
    %gather3A_356 = tpu.vector_load_idx %arg7[%add3A_355] : memref<1032xi32, #tpu.memory_space<vmem>>[vector<16xi32>], vector<16xi32>,
    %swap3A_357 = arith.constant 1 : i32
    %swap3A_358 = arith.index_cast %swap3A_357 : i32 to index
    %swap3A_359 = arith.constant 48 : index
    %swap3A_360 = tpu.vector_load %arg8[%swap3A_358, %swap3A_359] {strides = array<i32>} : memref<4x128xi32, #tpu.memory_space<vmem>>, vector<16xi32>,
    tpu.vector_store %arg8[%swap3A_358, %swap3A_359], %gather3A_352 {strides = array<i32>} : memref<4x128xi32, #tpu.memory_space<vmem>>, vector<16xi32>,
    %swap3A_361 = arith.constant 1 : i32
    %swap3A_362 = arith.index_cast %swap3A_361 : i32 to index
    %swap3A_363 = arith.constant 48 : index
    %swap3A_364 = tpu.vector_load %arg9[%swap3A_362, %swap3A_363] {strides = array<i32>} : memref<4x128xi32, #tpu.memory_space<vmem>>, vector<16xi32>,
    tpu.vector_store %arg9[%swap3A_362, %swap3A_363], %gather3A_356 {strides = array<i32>} : memref<4x128xi32, #tpu.memory_space<vmem>>, vector<16xi32>,
    %swap3A_365 = arith.constant 1 : i32
    %swap3A_366 = arith.index_cast %swap3A_365 : i32 to index
    %swap3A_367 = arith.constant 48 : index
    %swap3A_368 = tpu.vector_load %arg10[%swap3A_366, %swap3A_367] {strides = array<i32>} : memref<4x128xi32, #tpu.memory_space<vmem>>, vector<16xi32>,
    tpu.vector_store %arg10[%swap3A_366, %swap3A_367], %gather3A_348 {strides = array<i32>} : memref<4x128xi32, #tpu.memory_space<vmem>>, vector<16xi32>,
    %mul3A_369 = arith.constant 2 : i32
    %mul3A_370 = vector.broadcast %mul3A_369 : i32 to vector<16xi32>
    %mul3A_371 = arith.muli %mul3A_370, %iota3A : vector<16xi32>
    %add3A_372 = arith.constant 384 : i32
    %add3A_373 = vector.broadcast %add3A_372 : i32 to vector<16xi32>
    %add3A_374 = arith.addi %add3A_373, %mul3A_371 : vector<16xi32>
    %add3A_375 = arith.constant 7 : i32
    %add3A_376 = vector.broadcast %add3A_375 : i32 to vector<16xi32>
    %add3A_377 = arith.addi %add3A_374, %add3A_376 : vector<16xi32>
    %gather3A_378 = tpu.vector_load_idx %arg7[%add3A_377] : memref<1032xi32, #tpu.memory_space<vmem>>[vector<16xi32>], vector<16xi32>,
    %add3A_379 = arith.constant 8 : i32
    %add3A_380 = vector.broadcast %add3A_379 : i32 to vector<16xi32>
    %add3A_381 = arith.addi %add3A_374, %add3A_380 : vector<16xi32>
    %gather3A_382 = tpu.vector_load_idx %arg7[%add3A_381] : memref<1032xi32, #tpu.memory_space<vmem>>[vector<16xi32>], vector<16xi32>,
    %add3A_383 = arith.constant 9 : i32
    %add3A_384 = vector.broadcast %add3A_383 : i32 to vector<16xi32>
    %add3A_385 = arith.addi %add3A_374, %add3A_384 : vector<16xi32>
    %gather3A_386 = tpu.vector_load_idx %arg7[%add3A_385] : memref<1032xi32, #tpu.memory_space<vmem>>[vector<16xi32>], vector<16xi32>,
    %swap3A_387 = arith.constant 1 : i32
    %swap3A_388 = arith.index_cast %swap3A_387 : i32 to index
    %swap3A_389 = arith.constant 64 : index
    %swap3A_390 = tpu.vector_load %arg8[%swap3A_388, %swap3A_389] {strides = array<i32>} : memref<4x128xi32, #tpu.memory_space<vmem>>, vector<16xi32>,
    tpu.vector_store %arg8[%swap3A_388, %swap3A_389], %gather3A_382 {strides = array<i32>} : memref<4x128xi32, #tpu.memory_space<vmem>>, vector<16xi32>,
    %swap3A_391 = arith.constant 1 : i32
    %swap3A_392 = arith.index_cast %swap3A_391 : i32 to index
    %swap3A_393 = arith.constant 64 : index
    %swap3A_394 = tpu.vector_load %arg9[%swap3A_392, %swap3A_393] {strides = array<i32>} : memref<4x128xi32, #tpu.memory_space<vmem>>, vector<16xi32>,
    tpu.vector_store %arg9[%swap3A_392, %swap3A_393], %gather3A_386 {strides = array<i32>} : memref<4x128xi32, #tpu.memory_space<vmem>>, vector<16xi32>,
    %swap3A_395 = arith.constant 1 : i32
    %swap3A_396 = arith.index_cast %swap3A_395 : i32 to index
    %swap3A_397 = arith.constant 64 : index
    %swap3A_398 = tpu.vector_load %arg10[%swap3A_396, %swap3A_397] {strides = array<i32>} : memref<4x128xi32, #tpu.memory_space<vmem>>, vector<16xi32>,
    tpu.vector_store %arg10[%swap3A_396, %swap3A_397], %gather3A_378 {strides = array<i32>} : memref<4x128xi32, #tpu.memory_space<vmem>>, vector<16xi32>,
    %mul3A_399 = arith.constant 2 : i32
    %mul3A_400 = vector.broadcast %mul3A_399 : i32 to vector<16xi32>
    %mul3A_401 = arith.muli %mul3A_400, %iota3A : vector<16xi32>
    %add3A_402 = arith.constant 416 : i32
    %add3A_403 = vector.broadcast %add3A_402 : i32 to vector<16xi32>
    %add3A_404 = arith.addi %add3A_403, %mul3A_401 : vector<16xi32>
    %add3A_405 = arith.constant 7 : i32
    %add3A_406 = vector.broadcast %add3A_405 : i32 to vector<16xi32>
    %add3A_407 = arith.addi %add3A_404, %add3A_406 : vector<16xi32>
    %gather3A_408 = tpu.vector_load_idx %arg7[%add3A_407] : memref<1032xi32, #tpu.memory_space<vmem>>[vector<16xi32>], vector<16xi32>,
    %add3A_409 = arith.constant 8 : i32
    %add3A_410 = vector.broadcast %add3A_409 : i32 to vector<16xi32>
    %add3A_411 = arith.addi %add3A_404, %add3A_410 : vector<16xi32>
    %gather3A_412 = tpu.vector_load_idx %arg7[%add3A_411] : memref<1032xi32, #tpu.memory_space<vmem>>[vector<16xi32>], vector<16xi32>,
    %add3A_413 = arith.constant 9 : i32
    %add3A_414 = vector.broadcast %add3A_413 : i32 to vector<16xi32>
    %add3A_415 = arith.addi %add3A_404, %add3A_414 : vector<16xi32>
    %gather3A_416 = tpu.vector_load_idx %arg7[%add3A_415] : memref<1032xi32, #tpu.memory_space<vmem>>[vector<16xi32>], vector<16xi32>,
    %swap3A_417 = arith.constant 1 : i32
    %swap3A_418 = arith.index_cast %swap3A_417 : i32 to index
    %swap3A_419 = arith.constant 80 : index
    %swap3A_420 = tpu.vector_load %arg8[%swap3A_418, %swap3A_419] {strides = array<i32>} : memref<4x128xi32, #tpu.memory_space<vmem>>, vector<16xi32>,
    tpu.vector_store %arg8[%swap3A_418, %swap3A_419], %gather3A_412 {strides = array<i32>} : memref<4x128xi32, #tpu.memory_space<vmem>>, vector<16xi32>,
    %swap3A_421 = arith.constant 1 : i32
    %swap3A_422 = arith.index_cast %swap3A_421 : i32 to index
    %swap3A_423 = arith.constant 80 : index
    %swap3A_424 = tpu.vector_load %arg9[%swap3A_422, %swap3A_423] {strides = array<i32>} : memref<4x128xi32, #tpu.memory_space<vmem>>, vector<16xi32>,
    tpu.vector_store %arg9[%swap3A_422, %swap3A_423], %gather3A_416 {strides = array<i32>} : memref<4x128xi32, #tpu.memory_space<vmem>>, vector<16xi32>,
    %swap3A_425 = arith.constant 1 : i32
    %swap3A_426 = arith.index_cast %swap3A_425 : i32 to index
    %swap3A_427 = arith.constant 80 : index
    %swap3A_428 = tpu.vector_load %arg10[%swap3A_426, %swap3A_427] {strides = array<i32>} : memref<4x128xi32, #tpu.memory_space<vmem>>, vector<16xi32>,
    tpu.vector_store %arg10[%swap3A_426, %swap3A_427], %gather3A_408 {strides = array<i32>} : memref<4x128xi32, #tpu.memory_space<vmem>>, vector<16xi32>,
    %mul3A_429 = arith.constant 2 : i32
    %mul3A_430 = vector.broadcast %mul3A_429 : i32 to vector<16xi32>
    %mul3A_431 = arith.muli %mul3A_430, %iota3A : vector<16xi32>
    %add3A_432 = arith.constant 448 : i32
    %add3A_433 = vector.broadcast %add3A_432 : i32 to vector<16xi32>
    %add3A_434 = arith.addi %add3A_433, %mul3A_431 : vector<16xi32>
    %add3A_435 = arith.constant 7 : i32
    %add3A_436 = vector.broadcast %add3A_435 : i32 to vector<16xi32>
    %add3A_437 = arith.addi %add3A_434, %add3A_436 : vector<16xi32>
    %gather3A_438 = tpu.vector_load_idx %arg7[%add3A_437] : memref<1032xi32, #tpu.memory_space<vmem>>[vector<16xi32>], vector<16xi32>,
    %add3A_439 = arith.constant 8 : i32
    %add3A_440 = vector.broadcast %add3A_439 : i32 to vector<16xi32>
    %add3A_441 = arith.addi %add3A_434, %add3A_440 : vector<16xi32>
    %gather3A_442 = tpu.vector_load_idx %arg7[%add3A_441] : memref<1032xi32, #tpu.memory_space<vmem>>[vector<16xi32>], vector<16xi32>,
    %add3A_443 = arith.constant 9 : i32
    %add3A_444 = vector.broadcast %add3A_443 : i32 to vector<16xi32>
    %add3A_445 = arith.addi %add3A_434, %add3A_444 : vector<16xi32>
    %gather3A_446 = tpu.vector_load_idx %arg7[%add3A_445] : memref<1032xi32, #tpu.memory_space<vmem>>[vector<16xi32>], vector<16xi32>,
    %swap3A_447 = arith.constant 1 : i32
    %swap3A_448 = arith.index_cast %swap3A_447 : i32 to index
    %swap3A_449 = arith.constant 96 : index
    %swap3A_450 = tpu.vector_load %arg8[%swap3A_448, %swap3A_449] {strides = array<i32>} : memref<4x128xi32, #tpu.memory_space<vmem>>, vector<16xi32>,
    tpu.vector_store %arg8[%swap3A_448, %swap3A_449], %gather3A_442 {strides = array<i32>} : memref<4x128xi32, #tpu.memory_space<vmem>>, vector<16xi32>,
    %swap3A_451 = arith.constant 1 : i32
    %swap3A_452 = arith.index_cast %swap3A_451 : i32 to index
    %swap3A_453 = arith.constant 96 : index
    %swap3A_454 = tpu.vector_load %arg9[%swap3A_452, %swap3A_453] {strides = array<i32>} : memref<4x128xi32, #tpu.memory_space<vmem>>, vector<16xi32>,
    tpu.vector_store %arg9[%swap3A_452, %swap3A_453], %gather3A_446 {strides = array<i32>} : memref<4x128xi32, #tpu.memory_space<vmem>>, vector<16xi32>,
    %swap3A_455 = arith.constant 1 : i32
    %swap3A_456 = arith.index_cast %swap3A_455 : i32 to index
    %swap3A_457 = arith.constant 96 : index
    %swap3A_458 = tpu.vector_load %arg10[%swap3A_456, %swap3A_457] {strides = array<i32>} : memref<4x128xi32, #tpu.memory_space<vmem>>, vector<16xi32>,
    tpu.vector_store %arg10[%swap3A_456, %swap3A_457], %gather3A_438 {strides = array<i32>} : memref<4x128xi32, #tpu.memory_space<vmem>>, vector<16xi32>,
    %mul3A_459 = arith.constant 2 : i32
    %mul3A_460 = vector.broadcast %mul3A_459 : i32 to vector<16xi32>
    %mul3A_461 = arith.muli %mul3A_460, %iota3A : vector<16xi32>
    %add3A_462 = arith.constant 480 : i32
    %add3A_463 = vector.broadcast %add3A_462 : i32 to vector<16xi32>
    %add3A_464 = arith.addi %add3A_463, %mul3A_461 : vector<16xi32>
    %add3A_465 = arith.constant 7 : i32
    %add3A_466 = vector.broadcast %add3A_465 : i32 to vector<16xi32>
    %add3A_467 = arith.addi %add3A_464, %add3A_466 : vector<16xi32>
    %gather3A_468 = tpu.vector_load_idx %arg7[%add3A_467] : memref<1032xi32, #tpu.memory_space<vmem>>[vector<16xi32>], vector<16xi32>,
    %add3A_469 = arith.constant 8 : i32
    %add3A_470 = vector.broadcast %add3A_469 : i32 to vector<16xi32>
    %add3A_471 = arith.addi %add3A_464, %add3A_470 : vector<16xi32>
    %gather3A_472 = tpu.vector_load_idx %arg7[%add3A_471] : memref<1032xi32, #tpu.memory_space<vmem>>[vector<16xi32>], vector<16xi32>,
    %add3A_473 = arith.constant 9 : i32
    %add3A_474 = vector.broadcast %add3A_473 : i32 to vector<16xi32>
    %add3A_475 = arith.addi %add3A_464, %add3A_474 : vector<16xi32>
    %gather3A_476 = tpu.vector_load_idx %arg7[%add3A_475] : memref<1032xi32, #tpu.memory_space<vmem>>[vector<16xi32>], vector<16xi32>,
    %swap3A_477 = arith.constant 1 : i32
    %swap3A_478 = arith.index_cast %swap3A_477 : i32 to index
    %swap3A_479 = arith.constant 112 : index
    %swap3A_480 = tpu.vector_load %arg8[%swap3A_478, %swap3A_479] {strides = array<i32>} : memref<4x128xi32, #tpu.memory_space<vmem>>, vector<16xi32>,
    tpu.vector_store %arg8[%swap3A_478, %swap3A_479], %gather3A_472 {strides = array<i32>} : memref<4x128xi32, #tpu.memory_space<vmem>>, vector<16xi32>,
    %swap3A_481 = arith.constant 1 : i32
    %swap3A_482 = arith.index_cast %swap3A_481 : i32 to index
    %swap3A_483 = arith.constant 112 : index
    %swap3A_484 = tpu.vector_load %arg9[%swap3A_482, %swap3A_483] {strides = array<i32>} : memref<4x128xi32, #tpu.memory_space<vmem>>, vector<16xi32>,
    tpu.vector_store %arg9[%swap3A_482, %swap3A_483], %gather3A_476 {strides = array<i32>} : memref<4x128xi32, #tpu.memory_space<vmem>>, vector<16xi32>,
    %swap3A_485 = arith.constant 1 : i32
    %swap3A_486 = arith.index_cast %swap3A_485 : i32 to index
    %swap3A_487 = arith.constant 112 : index
    %swap3A_488 = tpu.vector_load %arg10[%swap3A_486, %swap3A_487] {strides = array<i32>} : memref<4x128xi32, #tpu.memory_space<vmem>>, vector<16xi32>,
    tpu.vector_store %arg10[%swap3A_486, %swap3A_487], %gather3A_468 {strides = array<i32>} : memref<4x128xi32, #tpu.memory_space<vmem>>, vector<16xi32>,
    %mul3A_489 = arith.constant 2 : i32
    %mul3A_490 = vector.broadcast %mul3A_489 : i32 to vector<16xi32>
    %mul3A_491 = arith.muli %mul3A_490, %iota3A : vector<16xi32>
    %add3A_492 = arith.constant 512 : i32
    %add3A_493 = vector.broadcast %add3A_492 : i32 to vector<16xi32>
    %add3A_494 = arith.addi %add3A_493, %mul3A_491 : vector<16xi32>
    %add3A_495 = arith.constant 7 : i32
    %add3A_496 = vector.broadcast %add3A_495 : i32 to vector<16xi32>
    %add3A_497 = arith.addi %add3A_494, %add3A_496 : vector<16xi32>
    %gather3A_498 = tpu.vector_load_idx %arg7[%add3A_497] : memref<1032xi32, #tpu.memory_space<vmem>>[vector<16xi32>], vector<16xi32>,
    %add3A_499 = arith.constant 8 : i32
    %add3A_500 = vector.broadcast %add3A_499 : i32 to vector<16xi32>
    %add3A_501 = arith.addi %add3A_494, %add3A_500 : vector<16xi32>
    %gather3A_502 = tpu.vector_load_idx %arg7[%add3A_501] : memref<1032xi32, #tpu.memory_space<vmem>>[vector<16xi32>], vector<16xi32>,
    %add3A_503 = arith.constant 9 : i32
    %add3A_504 = vector.broadcast %add3A_503 : i32 to vector<16xi32>
    %add3A_505 = arith.addi %add3A_494, %add3A_504 : vector<16xi32>
    %gather3A_506 = tpu.vector_load_idx %arg7[%add3A_505] : memref<1032xi32, #tpu.memory_space<vmem>>[vector<16xi32>], vector<16xi32>,
    %swap3A_507 = arith.constant 2 : i32
    %swap3A_508 = arith.index_cast %swap3A_507 : i32 to index
    %swap3A_509 = arith.constant 0 : index
    %swap3A_510 = tpu.vector_load %arg8[%swap3A_508, %swap3A_509] {strides = array<i32>} : memref<4x128xi32, #tpu.memory_space<vmem>>, vector<16xi32>,
    tpu.vector_store %arg8[%swap3A_508, %swap3A_509], %gather3A_502 {strides = array<i32>} : memref<4x128xi32, #tpu.memory_space<vmem>>, vector<16xi32>,
    %swap3A_511 = arith.constant 2 : i32
    %swap3A_512 = arith.index_cast %swap3A_511 : i32 to index
    %swap3A_513 = arith.constant 0 : index
    %swap3A_514 = tpu.vector_load %arg9[%swap3A_512, %swap3A_513] {strides = array<i32>} : memref<4x128xi32, #tpu.memory_space<vmem>>, vector<16xi32>,
    tpu.vector_store %arg9[%swap3A_512, %swap3A_513], %gather3A_506 {strides = array<i32>} : memref<4x128xi32, #tpu.memory_space<vmem>>, vector<16xi32>,
    %swap3A_515 = arith.constant 2 : i32
    %swap3A_516 = arith.index_cast %swap3A_515 : i32 to index
    %swap3A_517 = arith.constant 0 : index
    %swap3A_518 = tpu.vector_load %arg10[%swap3A_516, %swap3A_517] {strides = array<i32>} : memref<4x128xi32, #tpu.memory_space<vmem>>, vector<16xi32>,
    tpu.vector_store %arg10[%swap3A_516, %swap3A_517], %gather3A_498 {strides = array<i32>} : memref<4x128xi32, #tpu.memory_space<vmem>>, vector<16xi32>,
    %mul3A_519 = arith.constant 2 : i32
    %mul3A_520 = vector.broadcast %mul3A_519 : i32 to vector<16xi32>
    %mul3A_521 = arith.muli %mul3A_520, %iota3A : vector<16xi32>
    %add3A_522 = arith.constant 544 : i32
    %add3A_523 = vector.broadcast %add3A_522 : i32 to vector<16xi32>
    %add3A_524 = arith.addi %add3A_523, %mul3A_521 : vector<16xi32>
    %add3A_525 = arith.constant 7 : i32
    %add3A_526 = vector.broadcast %add3A_525 : i32 to vector<16xi32>
    %add3A_527 = arith.addi %add3A_524, %add3A_526 : vector<16xi32>
    %gather3A_528 = tpu.vector_load_idx %arg7[%add3A_527] : memref<1032xi32, #tpu.memory_space<vmem>>[vector<16xi32>], vector<16xi32>,
    %add3A_529 = arith.constant 8 : i32
    %add3A_530 = vector.broadcast %add3A_529 : i32 to vector<16xi32>
    %add3A_531 = arith.addi %add3A_524, %add3A_530 : vector<16xi32>
    %gather3A_532 = tpu.vector_load_idx %arg7[%add3A_531] : memref<1032xi32, #tpu.memory_space<vmem>>[vector<16xi32>], vector<16xi32>,
    %add3A_533 = arith.constant 9 : i32
    %add3A_534 = vector.broadcast %add3A_533 : i32 to vector<16xi32>
    %add3A_535 = arith.addi %add3A_524, %add3A_534 : vector<16xi32>
    %gather3A_536 = tpu.vector_load_idx %arg7[%add3A_535] : memref<1032xi32, #tpu.memory_space<vmem>>[vector<16xi32>], vector<16xi32>,
    %swap3A_537 = arith.constant 2 : i32
    %swap3A_538 = arith.index_cast %swap3A_537 : i32 to index
    %swap3A_539 = arith.constant 16 : index
    %swap3A_540 = tpu.vector_load %arg8[%swap3A_538, %swap3A_539] {strides = array<i32>} : memref<4x128xi32, #tpu.memory_space<vmem>>, vector<16xi32>,
    tpu.vector_store %arg8[%swap3A_538, %swap3A_539], %gather3A_532 {strides = array<i32>} : memref<4x128xi32, #tpu.memory_space<vmem>>, vector<16xi32>,
    %swap3A_541 = arith.constant 2 : i32
    %swap3A_542 = arith.index_cast %swap3A_541 : i32 to index
    %swap3A_543 = arith.constant 16 : index
    %swap3A_544 = tpu.vector_load %arg9[%swap3A_542, %swap3A_543] {strides = array<i32>} : memref<4x128xi32, #tpu.memory_space<vmem>>, vector<16xi32>,
    tpu.vector_store %arg9[%swap3A_542, %swap3A_543], %gather3A_536 {strides = array<i32>} : memref<4x128xi32, #tpu.memory_space<vmem>>, vector<16xi32>,
    %swap3A_545 = arith.constant 2 : i32
    %swap3A_546 = arith.index_cast %swap3A_545 : i32 to index
    %swap3A_547 = arith.constant 16 : index
    %swap3A_548 = tpu.vector_load %arg10[%swap3A_546, %swap3A_547] {strides = array<i32>} : memref<4x128xi32, #tpu.memory_space<vmem>>, vector<16xi32>,
    tpu.vector_store %arg10[%swap3A_546, %swap3A_547], %gather3A_528 {strides = array<i32>} : memref<4x128xi32, #tpu.memory_space<vmem>>, vector<16xi32>,
    %mul3A_549 = arith.constant 2 : i32
    %mul3A_550 = vector.broadcast %mul3A_549 : i32 to vector<16xi32>
    %mul3A_551 = arith.muli %mul3A_550, %iota3A : vector<16xi32>
    %add3A_552 = arith.constant 576 : i32
    %add3A_553 = vector.broadcast %add3A_552 : i32 to vector<16xi32>
    %add3A_554 = arith.addi %add3A_553, %mul3A_551 : vector<16xi32>
    %add3A_555 = arith.constant 7 : i32
    %add3A_556 = vector.broadcast %add3A_555 : i32 to vector<16xi32>
    %add3A_557 = arith.addi %add3A_554, %add3A_556 : vector<16xi32>
    %gather3A_558 = tpu.vector_load_idx %arg7[%add3A_557] : memref<1032xi32, #tpu.memory_space<vmem>>[vector<16xi32>], vector<16xi32>,
    %add3A_559 = arith.constant 8 : i32
    %add3A_560 = vector.broadcast %add3A_559 : i32 to vector<16xi32>
    %add3A_561 = arith.addi %add3A_554, %add3A_560 : vector<16xi32>
    %gather3A_562 = tpu.vector_load_idx %arg7[%add3A_561] : memref<1032xi32, #tpu.memory_space<vmem>>[vector<16xi32>], vector<16xi32>,
    %add3A_563 = arith.constant 9 : i32
    %add3A_564 = vector.broadcast %add3A_563 : i32 to vector<16xi32>
    %add3A_565 = arith.addi %add3A_554, %add3A_564 : vector<16xi32>
    %gather3A_566 = tpu.vector_load_idx %arg7[%add3A_565] : memref<1032xi32, #tpu.memory_space<vmem>>[vector<16xi32>], vector<16xi32>,
    %swap3A_567 = arith.constant 2 : i32
    %swap3A_568 = arith.index_cast %swap3A_567 : i32 to index
    %swap3A_569 = arith.constant 32 : index
    %swap3A_570 = tpu.vector_load %arg8[%swap3A_568, %swap3A_569] {strides = array<i32>} : memref<4x128xi32, #tpu.memory_space<vmem>>, vector<16xi32>,
    tpu.vector_store %arg8[%swap3A_568, %swap3A_569], %gather3A_562 {strides = array<i32>} : memref<4x128xi32, #tpu.memory_space<vmem>>, vector<16xi32>,
    %swap3A_571 = arith.constant 2 : i32
    %swap3A_572 = arith.index_cast %swap3A_571 : i32 to index
    %swap3A_573 = arith.constant 32 : index
    %swap3A_574 = tpu.vector_load %arg9[%swap3A_572, %swap3A_573] {strides = array<i32>} : memref<4x128xi32, #tpu.memory_space<vmem>>, vector<16xi32>,
    tpu.vector_store %arg9[%swap3A_572, %swap3A_573], %gather3A_566 {strides = array<i32>} : memref<4x128xi32, #tpu.memory_space<vmem>>, vector<16xi32>,
    %swap3A_575 = arith.constant 2 : i32
    %swap3A_576 = arith.index_cast %swap3A_575 : i32 to index
    %swap3A_577 = arith.constant 32 : index
    %swap3A_578 = tpu.vector_load %arg10[%swap3A_576, %swap3A_577] {strides = array<i32>} : memref<4x128xi32, #tpu.memory_space<vmem>>, vector<16xi32>,
    tpu.vector_store %arg10[%swap3A_576, %swap3A_577], %gather3A_558 {strides = array<i32>} : memref<4x128xi32, #tpu.memory_space<vmem>>, vector<16xi32>,
    %mul3A_579 = arith.constant 2 : i32
    %mul3A_580 = vector.broadcast %mul3A_579 : i32 to vector<16xi32>
    %mul3A_581 = arith.muli %mul3A_580, %iota3A : vector<16xi32>
    %add3A_582 = arith.constant 608 : i32
    %add3A_583 = vector.broadcast %add3A_582 : i32 to vector<16xi32>
    %add3A_584 = arith.addi %add3A_583, %mul3A_581 : vector<16xi32>
    %add3A_585 = arith.constant 7 : i32
    %add3A_586 = vector.broadcast %add3A_585 : i32 to vector<16xi32>
    %add3A_587 = arith.addi %add3A_584, %add3A_586 : vector<16xi32>
    %gather3A_588 = tpu.vector_load_idx %arg7[%add3A_587] : memref<1032xi32, #tpu.memory_space<vmem>>[vector<16xi32>], vector<16xi32>,
    %add3A_589 = arith.constant 8 : i32
    %add3A_590 = vector.broadcast %add3A_589 : i32 to vector<16xi32>
    %add3A_591 = arith.addi %add3A_584, %add3A_590 : vector<16xi32>
    %gather3A_592 = tpu.vector_load_idx %arg7[%add3A_591] : memref<1032xi32, #tpu.memory_space<vmem>>[vector<16xi32>], vector<16xi32>,
    %add3A_593 = arith.constant 9 : i32
    %add3A_594 = vector.broadcast %add3A_593 : i32 to vector<16xi32>
    %add3A_595 = arith.addi %add3A_584, %add3A_594 : vector<16xi32>
    %gather3A_596 = tpu.vector_load_idx %arg7[%add3A_595] : memref<1032xi32, #tpu.memory_space<vmem>>[vector<16xi32>], vector<16xi32>,
    %swap3A_597 = arith.constant 2 : i32
    %swap3A_598 = arith.index_cast %swap3A_597 : i32 to index
    %swap3A_599 = arith.constant 48 : index
    %swap3A_600 = tpu.vector_load %arg8[%swap3A_598, %swap3A_599] {strides = array<i32>} : memref<4x128xi32, #tpu.memory_space<vmem>>, vector<16xi32>,
    tpu.vector_store %arg8[%swap3A_598, %swap3A_599], %gather3A_592 {strides = array<i32>} : memref<4x128xi32, #tpu.memory_space<vmem>>, vector<16xi32>,
    %swap3A_601 = arith.constant 2 : i32
    %swap3A_602 = arith.index_cast %swap3A_601 : i32 to index
    %swap3A_603 = arith.constant 48 : index
    %swap3A_604 = tpu.vector_load %arg9[%swap3A_602, %swap3A_603] {strides = array<i32>} : memref<4x128xi32, #tpu.memory_space<vmem>>, vector<16xi32>,
    tpu.vector_store %arg9[%swap3A_602, %swap3A_603], %gather3A_596 {strides = array<i32>} : memref<4x128xi32, #tpu.memory_space<vmem>>, vector<16xi32>,
    %swap3A_605 = arith.constant 2 : i32
    %swap3A_606 = arith.index_cast %swap3A_605 : i32 to index
    %swap3A_607 = arith.constant 48 : index
    %swap3A_608 = tpu.vector_load %arg10[%swap3A_606, %swap3A_607] {strides = array<i32>} : memref<4x128xi32, #tpu.memory_space<vmem>>, vector<16xi32>,
    tpu.vector_store %arg10[%swap3A_606, %swap3A_607], %gather3A_588 {strides = array<i32>} : memref<4x128xi32, #tpu.memory_space<vmem>>, vector<16xi32>,
    %mul3A_609 = arith.constant 2 : i32
    %mul3A_610 = vector.broadcast %mul3A_609 : i32 to vector<16xi32>
    %mul3A_611 = arith.muli %mul3A_610, %iota3A : vector<16xi32>
    %add3A_612 = arith.constant 640 : i32
    %add3A_613 = vector.broadcast %add3A_612 : i32 to vector<16xi32>
    %add3A_614 = arith.addi %add3A_613, %mul3A_611 : vector<16xi32>
    %add3A_615 = arith.constant 7 : i32
    %add3A_616 = vector.broadcast %add3A_615 : i32 to vector<16xi32>
    %add3A_617 = arith.addi %add3A_614, %add3A_616 : vector<16xi32>
    %gather3A_618 = tpu.vector_load_idx %arg7[%add3A_617] : memref<1032xi32, #tpu.memory_space<vmem>>[vector<16xi32>], vector<16xi32>,
    %add3A_619 = arith.constant 8 : i32
    %add3A_620 = vector.broadcast %add3A_619 : i32 to vector<16xi32>
    %add3A_621 = arith.addi %add3A_614, %add3A_620 : vector<16xi32>
    %gather3A_622 = tpu.vector_load_idx %arg7[%add3A_621] : memref<1032xi32, #tpu.memory_space<vmem>>[vector<16xi32>], vector<16xi32>,
    %add3A_623 = arith.constant 9 : i32
    %add3A_624 = vector.broadcast %add3A_623 : i32 to vector<16xi32>
    %add3A_625 = arith.addi %add3A_614, %add3A_624 : vector<16xi32>
    %gather3A_626 = tpu.vector_load_idx %arg7[%add3A_625] : memref<1032xi32, #tpu.memory_space<vmem>>[vector<16xi32>], vector<16xi32>,
    %swap3A_627 = arith.constant 2 : i32
    %swap3A_628 = arith.index_cast %swap3A_627 : i32 to index
    %swap3A_629 = arith.constant 64 : index
    %swap3A_630 = tpu.vector_load %arg8[%swap3A_628, %swap3A_629] {strides = array<i32>} : memref<4x128xi32, #tpu.memory_space<vmem>>, vector<16xi32>,
    tpu.vector_store %arg8[%swap3A_628, %swap3A_629], %gather3A_622 {strides = array<i32>} : memref<4x128xi32, #tpu.memory_space<vmem>>, vector<16xi32>,
    %swap3A_631 = arith.constant 2 : i32
    %swap3A_632 = arith.index_cast %swap3A_631 : i32 to index
    %swap3A_633 = arith.constant 64 : index
    %swap3A_634 = tpu.vector_load %arg9[%swap3A_632, %swap3A_633] {strides = array<i32>} : memref<4x128xi32, #tpu.memory_space<vmem>>, vector<16xi32>,
    tpu.vector_store %arg9[%swap3A_632, %swap3A_633], %gather3A_626 {strides = array<i32>} : memref<4x128xi32, #tpu.memory_space<vmem>>, vector<16xi32>,
    %swap3A_635 = arith.constant 2 : i32
    %swap3A_636 = arith.index_cast %swap3A_635 : i32 to index
    %swap3A_637 = arith.constant 64 : index
    %swap3A_638 = tpu.vector_load %arg10[%swap3A_636, %swap3A_637] {strides = array<i32>} : memref<4x128xi32, #tpu.memory_space<vmem>>, vector<16xi32>,
    tpu.vector_store %arg10[%swap3A_636, %swap3A_637], %gather3A_618 {strides = array<i32>} : memref<4x128xi32, #tpu.memory_space<vmem>>, vector<16xi32>,
    %mul3A_639 = arith.constant 2 : i32
    %mul3A_640 = vector.broadcast %mul3A_639 : i32 to vector<16xi32>
    %mul3A_641 = arith.muli %mul3A_640, %iota3A : vector<16xi32>
    %add3A_642 = arith.constant 672 : i32
    %add3A_643 = vector.broadcast %add3A_642 : i32 to vector<16xi32>
    %add3A_644 = arith.addi %add3A_643, %mul3A_641 : vector<16xi32>
    %add3A_645 = arith.constant 7 : i32
    %add3A_646 = vector.broadcast %add3A_645 : i32 to vector<16xi32>
    %add3A_647 = arith.addi %add3A_644, %add3A_646 : vector<16xi32>
    %gather3A_648 = tpu.vector_load_idx %arg7[%add3A_647] : memref<1032xi32, #tpu.memory_space<vmem>>[vector<16xi32>], vector<16xi32>,
    %add3A_649 = arith.constant 8 : i32
    %add3A_650 = vector.broadcast %add3A_649 : i32 to vector<16xi32>
    %add3A_651 = arith.addi %add3A_644, %add3A_650 : vector<16xi32>
    %gather3A_652 = tpu.vector_load_idx %arg7[%add3A_651] : memref<1032xi32, #tpu.memory_space<vmem>>[vector<16xi32>], vector<16xi32>,
    %add3A_653 = arith.constant 9 : i32
    %add3A_654 = vector.broadcast %add3A_653 : i32 to vector<16xi32>
    %add3A_655 = arith.addi %add3A_644, %add3A_654 : vector<16xi32>
    %gather3A_656 = tpu.vector_load_idx %arg7[%add3A_655] : memref<1032xi32, #tpu.memory_space<vmem>>[vector<16xi32>], vector<16xi32>,
    %swap3A_657 = arith.constant 2 : i32
    %swap3A_658 = arith.index_cast %swap3A_657 : i32 to index
    %swap3A_659 = arith.constant 80 : index
    %swap3A_660 = tpu.vector_load %arg8[%swap3A_658, %swap3A_659] {strides = array<i32>} : memref<4x128xi32, #tpu.memory_space<vmem>>, vector<16xi32>,
    tpu.vector_store %arg8[%swap3A_658, %swap3A_659], %gather3A_652 {strides = array<i32>} : memref<4x128xi32, #tpu.memory_space<vmem>>, vector<16xi32>,
    %swap3A_661 = arith.constant 2 : i32
    %swap3A_662 = arith.index_cast %swap3A_661 : i32 to index
    %swap3A_663 = arith.constant 80 : index
    %swap3A_664 = tpu.vector_load %arg9[%swap3A_662, %swap3A_663] {strides = array<i32>} : memref<4x128xi32, #tpu.memory_space<vmem>>, vector<16xi32>,
    tpu.vector_store %arg9[%swap3A_662, %swap3A_663], %gather3A_656 {strides = array<i32>} : memref<4x128xi32, #tpu.memory_space<vmem>>, vector<16xi32>,
    %swap3A_665 = arith.constant 2 : i32
    %swap3A_666 = arith.index_cast %swap3A_665 : i32 to index
    %swap3A_667 = arith.constant 80 : index
    %swap3A_668 = tpu.vector_load %arg10[%swap3A_666, %swap3A_667] {strides = array<i32>} : memref<4x128xi32, #tpu.memory_space<vmem>>, vector<16xi32>,
    tpu.vector_store %arg10[%swap3A_666, %swap3A_667], %gather3A_648 {strides = array<i32>} : memref<4x128xi32, #tpu.memory_space<vmem>>, vector<16xi32>,
    %mul3A_669 = arith.constant 2 : i32
    %mul3A_670 = vector.broadcast %mul3A_669 : i32 to vector<16xi32>
    %mul3A_671 = arith.muli %mul3A_670, %iota3A : vector<16xi32>
    %add3A_672 = arith.constant 704 : i32
    %add3A_673 = vector.broadcast %add3A_672 : i32 to vector<16xi32>
    %add3A_674 = arith.addi %add3A_673, %mul3A_671 : vector<16xi32>
    %add3A_675 = arith.constant 7 : i32
    %add3A_676 = vector.broadcast %add3A_675 : i32 to vector<16xi32>
    %add3A_677 = arith.addi %add3A_674, %add3A_676 : vector<16xi32>
    %gather3A_678 = tpu.vector_load_idx %arg7[%add3A_677] : memref<1032xi32, #tpu.memory_space<vmem>>[vector<16xi32>], vector<16xi32>,
    %add3A_679 = arith.constant 8 : i32
    %add3A_680 = vector.broadcast %add3A_679 : i32 to vector<16xi32>
    %add3A_681 = arith.addi %add3A_674, %add3A_680 : vector<16xi32>
    %gather3A_682 = tpu.vector_load_idx %arg7[%add3A_681] : memref<1032xi32, #tpu.memory_space<vmem>>[vector<16xi32>], vector<16xi32>,
    %add3A_683 = arith.constant 9 : i32
    %add3A_684 = vector.broadcast %add3A_683 : i32 to vector<16xi32>
    %add3A_685 = arith.addi %add3A_674, %add3A_684 : vector<16xi32>
    %gather3A_686 = tpu.vector_load_idx %arg7[%add3A_685] : memref<1032xi32, #tpu.memory_space<vmem>>[vector<16xi32>], vector<16xi32>,
    %swap3A_687 = arith.constant 2 : i32
    %swap3A_688 = arith.index_cast %swap3A_687 : i32 to index
    %swap3A_689 = arith.constant 96 : index
    %swap3A_690 = tpu.vector_load %arg8[%swap3A_688, %swap3A_689] {strides = array<i32>} : memref<4x128xi32, #tpu.memory_space<vmem>>, vector<16xi32>,
    tpu.vector_store %arg8[%swap3A_688, %swap3A_689], %gather3A_682 {strides = array<i32>} : memref<4x128xi32, #tpu.memory_space<vmem>>, vector<16xi32>,
    %swap3A_691 = arith.constant 2 : i32
    %swap3A_692 = arith.index_cast %swap3A_691 : i32 to index
    %swap3A_693 = arith.constant 96 : index
    %swap3A_694 = tpu.vector_load %arg9[%swap3A_692, %swap3A_693] {strides = array<i32>} : memref<4x128xi32, #tpu.memory_space<vmem>>, vector<16xi32>,
    tpu.vector_store %arg9[%swap3A_692, %swap3A_693], %gather3A_686 {strides = array<i32>} : memref<4x128xi32, #tpu.memory_space<vmem>>, vector<16xi32>,
    %swap3A_695 = arith.constant 2 : i32
    %swap3A_696 = arith.index_cast %swap3A_695 : i32 to index
    %swap3A_697 = arith.constant 96 : index
    %swap3A_698 = tpu.vector_load %arg10[%swap3A_696, %swap3A_697] {strides = array<i32>} : memref<4x128xi32, #tpu.memory_space<vmem>>, vector<16xi32>,
    tpu.vector_store %arg10[%swap3A_696, %swap3A_697], %gather3A_678 {strides = array<i32>} : memref<4x128xi32, #tpu.memory_space<vmem>>, vector<16xi32>,
    %mul3A_699 = arith.constant 2 : i32
    %mul3A_700 = vector.broadcast %mul3A_699 : i32 to vector<16xi32>
    %mul3A_701 = arith.muli %mul3A_700, %iota3A : vector<16xi32>
    %add3A_702 = arith.constant 736 : i32
    %add3A_703 = vector.broadcast %add3A_702 : i32 to vector<16xi32>
    %add3A_704 = arith.addi %add3A_703, %mul3A_701 : vector<16xi32>
    %add3A_705 = arith.constant 7 : i32
    %add3A_706 = vector.broadcast %add3A_705 : i32 to vector<16xi32>
    %add3A_707 = arith.addi %add3A_704, %add3A_706 : vector<16xi32>
    %gather3A_708 = tpu.vector_load_idx %arg7[%add3A_707] : memref<1032xi32, #tpu.memory_space<vmem>>[vector<16xi32>], vector<16xi32>,
    %add3A_709 = arith.constant 8 : i32
    %add3A_710 = vector.broadcast %add3A_709 : i32 to vector<16xi32>
    %add3A_711 = arith.addi %add3A_704, %add3A_710 : vector<16xi32>
    %gather3A_712 = tpu.vector_load_idx %arg7[%add3A_711] : memref<1032xi32, #tpu.memory_space<vmem>>[vector<16xi32>], vector<16xi32>,
    %add3A_713 = arith.constant 9 : i32
    %add3A_714 = vector.broadcast %add3A_713 : i32 to vector<16xi32>
    %add3A_715 = arith.addi %add3A_704, %add3A_714 : vector<16xi32>
    %gather3A_716 = tpu.vector_load_idx %arg7[%add3A_715] : memref<1032xi32, #tpu.memory_space<vmem>>[vector<16xi32>], vector<16xi32>,
    %swap3A_717 = arith.constant 2 : i32
    %swap3A_718 = arith.index_cast %swap3A_717 : i32 to index
    %swap3A_719 = arith.constant 112 : index
    %swap3A_720 = tpu.vector_load %arg8[%swap3A_718, %swap3A_719] {strides = array<i32>} : memref<4x128xi32, #tpu.memory_space<vmem>>, vector<16xi32>,
    tpu.vector_store %arg8[%swap3A_718, %swap3A_719], %gather3A_712 {strides = array<i32>} : memref<4x128xi32, #tpu.memory_space<vmem>>, vector<16xi32>,
    %swap3A_721 = arith.constant 2 : i32
    %swap3A_722 = arith.index_cast %swap3A_721 : i32 to index
    %swap3A_723 = arith.constant 112 : index
    %swap3A_724 = tpu.vector_load %arg9[%swap3A_722, %swap3A_723] {strides = array<i32>} : memref<4x128xi32, #tpu.memory_space<vmem>>, vector<16xi32>,
    tpu.vector_store %arg9[%swap3A_722, %swap3A_723], %gather3A_716 {strides = array<i32>} : memref<4x128xi32, #tpu.memory_space<vmem>>, vector<16xi32>,
    %swap3A_725 = arith.constant 2 : i32
    %swap3A_726 = arith.index_cast %swap3A_725 : i32 to index
    %swap3A_727 = arith.constant 112 : index
    %swap3A_728 = tpu.vector_load %arg10[%swap3A_726, %swap3A_727] {strides = array<i32>} : memref<4x128xi32, #tpu.memory_space<vmem>>, vector<16xi32>,
    tpu.vector_store %arg10[%swap3A_726, %swap3A_727], %gather3A_708 {strides = array<i32>} : memref<4x128xi32, #tpu.memory_space<vmem>>, vector<16xi32>,
    %mul3A_729 = arith.constant 2 : i32
    %mul3A_730 = vector.broadcast %mul3A_729 : i32 to vector<16xi32>
    %mul3A_731 = arith.muli %mul3A_730, %iota3A : vector<16xi32>
    %add3A_732 = arith.constant 768 : i32
    %add3A_733 = vector.broadcast %add3A_732 : i32 to vector<16xi32>
    %add3A_734 = arith.addi %add3A_733, %mul3A_731 : vector<16xi32>
    %add3A_735 = arith.constant 7 : i32
    %add3A_736 = vector.broadcast %add3A_735 : i32 to vector<16xi32>
    %add3A_737 = arith.addi %add3A_734, %add3A_736 : vector<16xi32>
    %gather3A_738 = tpu.vector_load_idx %arg7[%add3A_737] : memref<1032xi32, #tpu.memory_space<vmem>>[vector<16xi32>], vector<16xi32>,
    %add3A_739 = arith.constant 8 : i32
    %add3A_740 = vector.broadcast %add3A_739 : i32 to vector<16xi32>
    %add3A_741 = arith.addi %add3A_734, %add3A_740 : vector<16xi32>
    %gather3A_742 = tpu.vector_load_idx %arg7[%add3A_741] : memref<1032xi32, #tpu.memory_space<vmem>>[vector<16xi32>], vector<16xi32>,
    %add3A_743 = arith.constant 9 : i32
    %add3A_744 = vector.broadcast %add3A_743 : i32 to vector<16xi32>
    %add3A_745 = arith.addi %add3A_734, %add3A_744 : vector<16xi32>
    %gather3A_746 = tpu.vector_load_idx %arg7[%add3A_745] : memref<1032xi32, #tpu.memory_space<vmem>>[vector<16xi32>], vector<16xi32>,
    %swap3A_747 = arith.constant 3 : i32
    %swap3A_748 = arith.index_cast %swap3A_747 : i32 to index
    %swap3A_749 = arith.constant 0 : index
    %swap3A_750 = tpu.vector_load %arg8[%swap3A_748, %swap3A_749] {strides = array<i32>} : memref<4x128xi32, #tpu.memory_space<vmem>>, vector<16xi32>,
    tpu.vector_store %arg8[%swap3A_748, %swap3A_749], %gather3A_742 {strides = array<i32>} : memref<4x128xi32, #tpu.memory_space<vmem>>, vector<16xi32>,
    %swap3A_751 = arith.constant 3 : i32
    %swap3A_752 = arith.index_cast %swap3A_751 : i32 to index
    %swap3A_753 = arith.constant 0 : index
    %swap3A_754 = tpu.vector_load %arg9[%swap3A_752, %swap3A_753] {strides = array<i32>} : memref<4x128xi32, #tpu.memory_space<vmem>>, vector<16xi32>,
    tpu.vector_store %arg9[%swap3A_752, %swap3A_753], %gather3A_746 {strides = array<i32>} : memref<4x128xi32, #tpu.memory_space<vmem>>, vector<16xi32>,
    %swap3A_755 = arith.constant 3 : i32
    %swap3A_756 = arith.index_cast %swap3A_755 : i32 to index
    %swap3A_757 = arith.constant 0 : index
    %swap3A_758 = tpu.vector_load %arg10[%swap3A_756, %swap3A_757] {strides = array<i32>} : memref<4x128xi32, #tpu.memory_space<vmem>>, vector<16xi32>,
    tpu.vector_store %arg10[%swap3A_756, %swap3A_757], %gather3A_738 {strides = array<i32>} : memref<4x128xi32, #tpu.memory_space<vmem>>, vector<16xi32>,
    %mul3A_759 = arith.constant 2 : i32
    %mul3A_760 = vector.broadcast %mul3A_759 : i32 to vector<16xi32>
    %mul3A_761 = arith.muli %mul3A_760, %iota3A : vector<16xi32>
    %add3A_762 = arith.constant 800 : i32
    %add3A_763 = vector.broadcast %add3A_762 : i32 to vector<16xi32>
    %add3A_764 = arith.addi %add3A_763, %mul3A_761 : vector<16xi32>
    %add3A_765 = arith.constant 7 : i32
    %add3A_766 = vector.broadcast %add3A_765 : i32 to vector<16xi32>
    %add3A_767 = arith.addi %add3A_764, %add3A_766 : vector<16xi32>
    %gather3A_768 = tpu.vector_load_idx %arg7[%add3A_767] : memref<1032xi32, #tpu.memory_space<vmem>>[vector<16xi32>], vector<16xi32>,
    %add3A_769 = arith.constant 8 : i32
    %add3A_770 = vector.broadcast %add3A_769 : i32 to vector<16xi32>
    %add3A_771 = arith.addi %add3A_764, %add3A_770 : vector<16xi32>
    %gather3A_772 = tpu.vector_load_idx %arg7[%add3A_771] : memref<1032xi32, #tpu.memory_space<vmem>>[vector<16xi32>], vector<16xi32>,
    %add3A_773 = arith.constant 9 : i32
    %add3A_774 = vector.broadcast %add3A_773 : i32 to vector<16xi32>
    %add3A_775 = arith.addi %add3A_764, %add3A_774 : vector<16xi32>
    %gather3A_776 = tpu.vector_load_idx %arg7[%add3A_775] : memref<1032xi32, #tpu.memory_space<vmem>>[vector<16xi32>], vector<16xi32>,
    %swap3A_777 = arith.constant 3 : i32
    %swap3A_778 = arith.index_cast %swap3A_777 : i32 to index
    %swap3A_779 = arith.constant 16 : index
    %swap3A_780 = tpu.vector_load %arg8[%swap3A_778, %swap3A_779] {strides = array<i32>} : memref<4x128xi32, #tpu.memory_space<vmem>>, vector<16xi32>,
    tpu.vector_store %arg8[%swap3A_778, %swap3A_779], %gather3A_772 {strides = array<i32>} : memref<4x128xi32, #tpu.memory_space<vmem>>, vector<16xi32>,
    %swap3A_781 = arith.constant 3 : i32
    %swap3A_782 = arith.index_cast %swap3A_781 : i32 to index
    %swap3A_783 = arith.constant 16 : index
    %swap3A_784 = tpu.vector_load %arg9[%swap3A_782, %swap3A_783] {strides = array<i32>} : memref<4x128xi32, #tpu.memory_space<vmem>>, vector<16xi32>,
    tpu.vector_store %arg9[%swap3A_782, %swap3A_783], %gather3A_776 {strides = array<i32>} : memref<4x128xi32, #tpu.memory_space<vmem>>, vector<16xi32>,
    %swap3A_785 = arith.constant 3 : i32
    %swap3A_786 = arith.index_cast %swap3A_785 : i32 to index
    %swap3A_787 = arith.constant 16 : index
    %swap3A_788 = tpu.vector_load %arg10[%swap3A_786, %swap3A_787] {strides = array<i32>} : memref<4x128xi32, #tpu.memory_space<vmem>>, vector<16xi32>,
    tpu.vector_store %arg10[%swap3A_786, %swap3A_787], %gather3A_768 {strides = array<i32>} : memref<4x128xi32, #tpu.memory_space<vmem>>, vector<16xi32>,
    %mul3A_789 = arith.constant 2 : i32
    %mul3A_790 = vector.broadcast %mul3A_789 : i32 to vector<16xi32>
    %mul3A_791 = arith.muli %mul3A_790, %iota3A : vector<16xi32>
    %add3A_792 = arith.constant 832 : i32
    %add3A_793 = vector.broadcast %add3A_792 : i32 to vector<16xi32>
    %add3A_794 = arith.addi %add3A_793, %mul3A_791 : vector<16xi32>
    %add3A_795 = arith.constant 7 : i32
    %add3A_796 = vector.broadcast %add3A_795 : i32 to vector<16xi32>
    %add3A_797 = arith.addi %add3A_794, %add3A_796 : vector<16xi32>
    %gather3A_798 = tpu.vector_load_idx %arg7[%add3A_797] : memref<1032xi32, #tpu.memory_space<vmem>>[vector<16xi32>], vector<16xi32>,
    %add3A_799 = arith.constant 8 : i32
    %add3A_800 = vector.broadcast %add3A_799 : i32 to vector<16xi32>
    %add3A_801 = arith.addi %add3A_794, %add3A_800 : vector<16xi32>
    %gather3A_802 = tpu.vector_load_idx %arg7[%add3A_801] : memref<1032xi32, #tpu.memory_space<vmem>>[vector<16xi32>], vector<16xi32>,
    %add3A_803 = arith.constant 9 : i32
    %add3A_804 = vector.broadcast %add3A_803 : i32 to vector<16xi32>
    %add3A_805 = arith.addi %add3A_794, %add3A_804 : vector<16xi32>
    %gather3A_806 = tpu.vector_load_idx %arg7[%add3A_805] : memref<1032xi32, #tpu.memory_space<vmem>>[vector<16xi32>], vector<16xi32>,
    %swap3A_807 = arith.constant 3 : i32
    %swap3A_808 = arith.index_cast %swap3A_807 : i32 to index
    %swap3A_809 = arith.constant 32 : index
    %swap3A_810 = tpu.vector_load %arg8[%swap3A_808, %swap3A_809] {strides = array<i32>} : memref<4x128xi32, #tpu.memory_space<vmem>>, vector<16xi32>,
    tpu.vector_store %arg8[%swap3A_808, %swap3A_809], %gather3A_802 {strides = array<i32>} : memref<4x128xi32, #tpu.memory_space<vmem>>, vector<16xi32>,
    %swap3A_811 = arith.constant 3 : i32
    %swap3A_812 = arith.index_cast %swap3A_811 : i32 to index
    %swap3A_813 = arith.constant 32 : index
    %swap3A_814 = tpu.vector_load %arg9[%swap3A_812, %swap3A_813] {strides = array<i32>} : memref<4x128xi32, #tpu.memory_space<vmem>>, vector<16xi32>,
    tpu.vector_store %arg9[%swap3A_812, %swap3A_813], %gather3A_806 {strides = array<i32>} : memref<4x128xi32, #tpu.memory_space<vmem>>, vector<16xi32>,
    %swap3A_815 = arith.constant 3 : i32
    %swap3A_816 = arith.index_cast %swap3A_815 : i32 to index
    %swap3A_817 = arith.constant 32 : index
    %swap3A_818 = tpu.vector_load %arg10[%swap3A_816, %swap3A_817] {strides = array<i32>} : memref<4x128xi32, #tpu.memory_space<vmem>>, vector<16xi32>,
    tpu.vector_store %arg10[%swap3A_816, %swap3A_817], %gather3A_798 {strides = array<i32>} : memref<4x128xi32, #tpu.memory_space<vmem>>, vector<16xi32>,
    %mul3A_819 = arith.constant 2 : i32
    %mul3A_820 = vector.broadcast %mul3A_819 : i32 to vector<16xi32>
    %mul3A_821 = arith.muli %mul3A_820, %iota3A : vector<16xi32>
    %add3A_822 = arith.constant 864 : i32
    %add3A_823 = vector.broadcast %add3A_822 : i32 to vector<16xi32>
    %add3A_824 = arith.addi %add3A_823, %mul3A_821 : vector<16xi32>
    %add3A_825 = arith.constant 7 : i32
    %add3A_826 = vector.broadcast %add3A_825 : i32 to vector<16xi32>
    %add3A_827 = arith.addi %add3A_824, %add3A_826 : vector<16xi32>
    %gather3A_828 = tpu.vector_load_idx %arg7[%add3A_827] : memref<1032xi32, #tpu.memory_space<vmem>>[vector<16xi32>], vector<16xi32>,
    %add3A_829 = arith.constant 8 : i32
    %add3A_830 = vector.broadcast %add3A_829 : i32 to vector<16xi32>
    %add3A_831 = arith.addi %add3A_824, %add3A_830 : vector<16xi32>
    %gather3A_832 = tpu.vector_load_idx %arg7[%add3A_831] : memref<1032xi32, #tpu.memory_space<vmem>>[vector<16xi32>], vector<16xi32>,
    %add3A_833 = arith.constant 9 : i32
    %add3A_834 = vector.broadcast %add3A_833 : i32 to vector<16xi32>
    %add3A_835 = arith.addi %add3A_824, %add3A_834 : vector<16xi32>
    %gather3A_836 = tpu.vector_load_idx %arg7[%add3A_835] : memref<1032xi32, #tpu.memory_space<vmem>>[vector<16xi32>], vector<16xi32>,
    %swap3A_837 = arith.constant 3 : i32
    %swap3A_838 = arith.index_cast %swap3A_837 : i32 to index
    %swap3A_839 = arith.constant 48 : index
    %swap3A_840 = tpu.vector_load %arg8[%swap3A_838, %swap3A_839] {strides = array<i32>} : memref<4x128xi32, #tpu.memory_space<vmem>>, vector<16xi32>,
    tpu.vector_store %arg8[%swap3A_838, %swap3A_839], %gather3A_832 {strides = array<i32>} : memref<4x128xi32, #tpu.memory_space<vmem>>, vector<16xi32>,
    %swap3A_841 = arith.constant 3 : i32
    %swap3A_842 = arith.index_cast %swap3A_841 : i32 to index
    %swap3A_843 = arith.constant 48 : index
    %swap3A_844 = tpu.vector_load %arg9[%swap3A_842, %swap3A_843] {strides = array<i32>} : memref<4x128xi32, #tpu.memory_space<vmem>>, vector<16xi32>,
    tpu.vector_store %arg9[%swap3A_842, %swap3A_843], %gather3A_836 {strides = array<i32>} : memref<4x128xi32, #tpu.memory_space<vmem>>, vector<16xi32>,
    %swap3A_845 = arith.constant 3 : i32
    %swap3A_846 = arith.index_cast %swap3A_845 : i32 to index
    %swap3A_847 = arith.constant 48 : index
    %swap3A_848 = tpu.vector_load %arg10[%swap3A_846, %swap3A_847] {strides = array<i32>} : memref<4x128xi32, #tpu.memory_space<vmem>>, vector<16xi32>,
    tpu.vector_store %arg10[%swap3A_846, %swap3A_847], %gather3A_828 {strides = array<i32>} : memref<4x128xi32, #tpu.memory_space<vmem>>, vector<16xi32>,
    %mul3A_849 = arith.constant 2 : i32
    %mul3A_850 = vector.broadcast %mul3A_849 : i32 to vector<16xi32>
    %mul3A_851 = arith.muli %mul3A_850, %iota3A : vector<16xi32>
    %add3A_852 = arith.constant 896 : i32
    %add3A_853 = vector.broadcast %add3A_852 : i32 to vector<16xi32>
    %add3A_854 = arith.addi %add3A_853, %mul3A_851 : vector<16xi32>
    %add3A_855 = arith.constant 7 : i32
    %add3A_856 = vector.broadcast %add3A_855 : i32 to vector<16xi32>
    %add3A_857 = arith.addi %add3A_854, %add3A_856 : vector<16xi32>
    %gather3A_858 = tpu.vector_load_idx %arg7[%add3A_857] : memref<1032xi32, #tpu.memory_space<vmem>>[vector<16xi32>], vector<16xi32>,
    %add3A_859 = arith.constant 8 : i32
    %add3A_860 = vector.broadcast %add3A_859 : i32 to vector<16xi32>
    %add3A_861 = arith.addi %add3A_854, %add3A_860 : vector<16xi32>
    %gather3A_862 = tpu.vector_load_idx %arg7[%add3A_861] : memref<1032xi32, #tpu.memory_space<vmem>>[vector<16xi32>], vector<16xi32>,
    %add3A_863 = arith.constant 9 : i32
    %add3A_864 = vector.broadcast %add3A_863 : i32 to vector<16xi32>
    %add3A_865 = arith.addi %add3A_854, %add3A_864 : vector<16xi32>
    %gather3A_866 = tpu.vector_load_idx %arg7[%add3A_865] : memref<1032xi32, #tpu.memory_space<vmem>>[vector<16xi32>], vector<16xi32>,
    %swap3A_867 = arith.constant 3 : i32
    %swap3A_868 = arith.index_cast %swap3A_867 : i32 to index
    %swap3A_869 = arith.constant 64 : index
    %swap3A_870 = tpu.vector_load %arg8[%swap3A_868, %swap3A_869] {strides = array<i32>} : memref<4x128xi32, #tpu.memory_space<vmem>>, vector<16xi32>,
    tpu.vector_store %arg8[%swap3A_868, %swap3A_869], %gather3A_862 {strides = array<i32>} : memref<4x128xi32, #tpu.memory_space<vmem>>, vector<16xi32>,
    %swap3A_871 = arith.constant 3 : i32
    %swap3A_872 = arith.index_cast %swap3A_871 : i32 to index
    %swap3A_873 = arith.constant 64 : index
    %swap3A_874 = tpu.vector_load %arg9[%swap3A_872, %swap3A_873] {strides = array<i32>} : memref<4x128xi32, #tpu.memory_space<vmem>>, vector<16xi32>,
    tpu.vector_store %arg9[%swap3A_872, %swap3A_873], %gather3A_866 {strides = array<i32>} : memref<4x128xi32, #tpu.memory_space<vmem>>, vector<16xi32>,
    %swap3A_875 = arith.constant 3 : i32
    %swap3A_876 = arith.index_cast %swap3A_875 : i32 to index
    %swap3A_877 = arith.constant 64 : index
    %swap3A_878 = tpu.vector_load %arg10[%swap3A_876, %swap3A_877] {strides = array<i32>} : memref<4x128xi32, #tpu.memory_space<vmem>>, vector<16xi32>,
    tpu.vector_store %arg10[%swap3A_876, %swap3A_877], %gather3A_858 {strides = array<i32>} : memref<4x128xi32, #tpu.memory_space<vmem>>, vector<16xi32>,
    %mul3A_879 = arith.constant 2 : i32
    %mul3A_880 = vector.broadcast %mul3A_879 : i32 to vector<16xi32>
    %mul3A_881 = arith.muli %mul3A_880, %iota3A : vector<16xi32>
    %add3A_882 = arith.constant 928 : i32
    %add3A_883 = vector.broadcast %add3A_882 : i32 to vector<16xi32>
    %add3A_884 = arith.addi %add3A_883, %mul3A_881 : vector<16xi32>
    %add3A_885 = arith.constant 7 : i32
    %add3A_886 = vector.broadcast %add3A_885 : i32 to vector<16xi32>
    %add3A_887 = arith.addi %add3A_884, %add3A_886 : vector<16xi32>
    %gather3A_888 = tpu.vector_load_idx %arg7[%add3A_887] : memref<1032xi32, #tpu.memory_space<vmem>>[vector<16xi32>], vector<16xi32>,
    %add3A_889 = arith.constant 8 : i32
    %add3A_890 = vector.broadcast %add3A_889 : i32 to vector<16xi32>
    %add3A_891 = arith.addi %add3A_884, %add3A_890 : vector<16xi32>
    %gather3A_892 = tpu.vector_load_idx %arg7[%add3A_891] : memref<1032xi32, #tpu.memory_space<vmem>>[vector<16xi32>], vector<16xi32>,
    %add3A_893 = arith.constant 9 : i32
    %add3A_894 = vector.broadcast %add3A_893 : i32 to vector<16xi32>
    %add3A_895 = arith.addi %add3A_884, %add3A_894 : vector<16xi32>
    %gather3A_896 = tpu.vector_load_idx %arg7[%add3A_895] : memref<1032xi32, #tpu.memory_space<vmem>>[vector<16xi32>], vector<16xi32>,
    %swap3A_897 = arith.constant 3 : i32
    %swap3A_898 = arith.index_cast %swap3A_897 : i32 to index
    %swap3A_899 = arith.constant 80 : index
    %swap3A_900 = tpu.vector_load %arg8[%swap3A_898, %swap3A_899] {strides = array<i32>} : memref<4x128xi32, #tpu.memory_space<vmem>>, vector<16xi32>,
    tpu.vector_store %arg8[%swap3A_898, %swap3A_899], %gather3A_892 {strides = array<i32>} : memref<4x128xi32, #tpu.memory_space<vmem>>, vector<16xi32>,
    %swap3A_901 = arith.constant 3 : i32
    %swap3A_902 = arith.index_cast %swap3A_901 : i32 to index
    %swap3A_903 = arith.constant 80 : index
    %swap3A_904 = tpu.vector_load %arg9[%swap3A_902, %swap3A_903] {strides = array<i32>} : memref<4x128xi32, #tpu.memory_space<vmem>>, vector<16xi32>,
    tpu.vector_store %arg9[%swap3A_902, %swap3A_903], %gather3A_896 {strides = array<i32>} : memref<4x128xi32, #tpu.memory_space<vmem>>, vector<16xi32>,
    %swap3A_905 = arith.constant 3 : i32
    %swap3A_906 = arith.index_cast %swap3A_905 : i32 to index
    %swap3A_907 = arith.constant 80 : index
    %swap3A_908 = tpu.vector_load %arg10[%swap3A_906, %swap3A_907] {strides = array<i32>} : memref<4x128xi32, #tpu.memory_space<vmem>>, vector<16xi32>,
    tpu.vector_store %arg10[%swap3A_906, %swap3A_907], %gather3A_888 {strides = array<i32>} : memref<4x128xi32, #tpu.memory_space<vmem>>, vector<16xi32>,
    %mul3A_909 = arith.constant 2 : i32
    %mul3A_910 = vector.broadcast %mul3A_909 : i32 to vector<16xi32>
    %mul3A_911 = arith.muli %mul3A_910, %iota3A : vector<16xi32>
    %add3A_912 = arith.constant 960 : i32
    %add3A_913 = vector.broadcast %add3A_912 : i32 to vector<16xi32>
    %add3A_914 = arith.addi %add3A_913, %mul3A_911 : vector<16xi32>
    %add3A_915 = arith.constant 7 : i32
    %add3A_916 = vector.broadcast %add3A_915 : i32 to vector<16xi32>
    %add3A_917 = arith.addi %add3A_914, %add3A_916 : vector<16xi32>
    %gather3A_918 = tpu.vector_load_idx %arg7[%add3A_917] : memref<1032xi32, #tpu.memory_space<vmem>>[vector<16xi32>], vector<16xi32>,
    %add3A_919 = arith.constant 8 : i32
    %add3A_920 = vector.broadcast %add3A_919 : i32 to vector<16xi32>
    %add3A_921 = arith.addi %add3A_914, %add3A_920 : vector<16xi32>
    %gather3A_922 = tpu.vector_load_idx %arg7[%add3A_921] : memref<1032xi32, #tpu.memory_space<vmem>>[vector<16xi32>], vector<16xi32>,
    %add3A_923 = arith.constant 9 : i32
    %add3A_924 = vector.broadcast %add3A_923 : i32 to vector<16xi32>
    %add3A_925 = arith.addi %add3A_914, %add3A_924 : vector<16xi32>
    %gather3A_926 = tpu.vector_load_idx %arg7[%add3A_925] : memref<1032xi32, #tpu.memory_space<vmem>>[vector<16xi32>], vector<16xi32>,
    %swap3A_927 = arith.constant 3 : i32
    %swap3A_928 = arith.index_cast %swap3A_927 : i32 to index
    %swap3A_929 = arith.constant 96 : index
    %swap3A_930 = tpu.vector_load %arg8[%swap3A_928, %swap3A_929] {strides = array<i32>} : memref<4x128xi32, #tpu.memory_space<vmem>>, vector<16xi32>,
    tpu.vector_store %arg8[%swap3A_928, %swap3A_929], %gather3A_922 {strides = array<i32>} : memref<4x128xi32, #tpu.memory_space<vmem>>, vector<16xi32>,
    %swap3A_931 = arith.constant 3 : i32
    %swap3A_932 = arith.index_cast %swap3A_931 : i32 to index
    %swap3A_933 = arith.constant 96 : index
    %swap3A_934 = tpu.vector_load %arg9[%swap3A_932, %swap3A_933] {strides = array<i32>} : memref<4x128xi32, #tpu.memory_space<vmem>>, vector<16xi32>,
    tpu.vector_store %arg9[%swap3A_932, %swap3A_933], %gather3A_926 {strides = array<i32>} : memref<4x128xi32, #tpu.memory_space<vmem>>, vector<16xi32>,
    %swap3A_935 = arith.constant 3 : i32
    %swap3A_936 = arith.index_cast %swap3A_935 : i32 to index
    %swap3A_937 = arith.constant 96 : index
    %swap3A_938 = tpu.vector_load %arg10[%swap3A_936, %swap3A_937] {strides = array<i32>} : memref<4x128xi32, #tpu.memory_space<vmem>>, vector<16xi32>,
    tpu.vector_store %arg10[%swap3A_936, %swap3A_937], %gather3A_918 {strides = array<i32>} : memref<4x128xi32, #tpu.memory_space<vmem>>, vector<16xi32>,
    %mul3A_939 = arith.constant 2 : i32
    %mul3A_940 = vector.broadcast %mul3A_939 : i32 to vector<16xi32>
    %mul3A_941 = arith.muli %mul3A_940, %iota3A : vector<16xi32>
    %add3A_942 = arith.constant 992 : i32
    %add3A_943 = vector.broadcast %add3A_942 : i32 to vector<16xi32>
    %add3A_944 = arith.addi %add3A_943, %mul3A_941 : vector<16xi32>
    %add3A_945 = arith.constant 7 : i32
    %add3A_946 = vector.broadcast %add3A_945 : i32 to vector<16xi32>
    %add3A_947 = arith.addi %add3A_944, %add3A_946 : vector<16xi32>
    %gather3A_948 = tpu.vector_load_idx %arg7[%add3A_947] : memref<1032xi32, #tpu.memory_space<vmem>>[vector<16xi32>], vector<16xi32>,
    %add3A_949 = arith.constant 8 : i32
    %add3A_950 = vector.broadcast %add3A_949 : i32 to vector<16xi32>
    %add3A_951 = arith.addi %add3A_944, %add3A_950 : vector<16xi32>
    %gather3A_952 = tpu.vector_load_idx %arg7[%add3A_951] : memref<1032xi32, #tpu.memory_space<vmem>>[vector<16xi32>], vector<16xi32>,
    %add3A_953 = arith.constant 9 : i32
    %add3A_954 = vector.broadcast %add3A_953 : i32 to vector<16xi32>
    %add3A_955 = arith.addi %add3A_944, %add3A_954 : vector<16xi32>
    %gather3A_956 = tpu.vector_load_idx %arg7[%add3A_955] : memref<1032xi32, #tpu.memory_space<vmem>>[vector<16xi32>], vector<16xi32>,
    %swap3A_957 = arith.constant 3 : i32
    %swap3A_958 = arith.index_cast %swap3A_957 : i32 to index
    %swap3A_959 = arith.constant 112 : index
    %swap3A_960 = tpu.vector_load %arg8[%swap3A_958, %swap3A_959] {strides = array<i32>} : memref<4x128xi32, #tpu.memory_space<vmem>>, vector<16xi32>,
    tpu.vector_store %arg8[%swap3A_958, %swap3A_959], %gather3A_952 {strides = array<i32>} : memref<4x128xi32, #tpu.memory_space<vmem>>, vector<16xi32>,
    %swap3A_961 = arith.constant 3 : i32
    %swap3A_962 = arith.index_cast %swap3A_961 : i32 to index
    %swap3A_963 = arith.constant 112 : index
    %swap3A_964 = tpu.vector_load %arg9[%swap3A_962, %swap3A_963] {strides = array<i32>} : memref<4x128xi32, #tpu.memory_space<vmem>>, vector<16xi32>,
    tpu.vector_store %arg9[%swap3A_962, %swap3A_963], %gather3A_956 {strides = array<i32>} : memref<4x128xi32, #tpu.memory_space<vmem>>, vector<16xi32>,
    %swap3A_965 = arith.constant 3 : i32
    %swap3A_966 = arith.index_cast %swap3A_965 : i32 to index
    %swap3A_967 = arith.constant 112 : index
    %swap3A_968 = tpu.vector_load %arg10[%swap3A_966, %swap3A_967] {strides = array<i32>} : memref<4x128xi32, #tpu.memory_space<vmem>>, vector<16xi32>,
    tpu.vector_store %arg10[%swap3A_966, %swap3A_967], %gather3A_948 {strides = array<i32>} : memref<4x128xi32, #tpu.memory_space<vmem>>, vector<16xi32>,
    %dma_start3A = arith.constant 0 : i32
    %dma_start3A_969 = arith.constant 0 : i32
    %dma_start3A_970 = arith.constant 0 : i32
    %dma_start3A_971 = tpu.memref_slice %arg11[%dma_start3A_969, %dma_start3A_970] : memref<512x32xf32, #tpu.memory_space<vmem>> -> memref<128x32xf32, #tpu.memory_space<vmem>>
    %dma_start3A_972 = arith.constant 0 : i32
    %dma_start3A_973 = tpu.memref_slice %arg8[%dma_start3A, %dma_start3A_972] : memref<4x128xi32, #tpu.memory_space<vmem>> -> memref<1x128xi32, #tpu.memory_space<vmem>>
    %dma_start3A_974 = tpu.memref_squeeze %dma_start3A_973 : memref<1x128xi32, #tpu.memory_space<vmem>> -> memref<128xi32, #tpu.memory_space<vmem>>
    %dma_start3A_975 = arith.constant 0 : i32
    %dma_start3A_976 = arith.constant 0 : i32
    %dma_start3A_977 = tpu.memref_slice %arg3[%dma_start3A_975, %dma_start3A_976] : memref<1000000x32xf32, #tpu.memory_space<hbm>> -> memref<1000000x32xf32, #tpu.memory_space<hbm>>
    tpu.enqueue_indirect_dma source(%dma_start3A_977 : memref<1000000x32xf32, #tpu.memory_space<hbm>>) target(%dma_start3A_971 : memref<128x32xf32, #tpu.memory_space<vmem>>) offsets(%dma_start3A_974 : memref<128xi32, #tpu.memory_space<vmem>>) semaphore(%arg14 : memref<!tpu.dma_semaphore, #tpu.memory_space<semaphore_mem>>)
    %dma_start3A_978 = arith.constant 0 : i32
    %dma_start3A_979 = arith.constant 0 : i32
    %dma_start3A_980 = arith.constant 0 : i32
    %dma_start3A_981 = tpu.memref_slice %arg12[%dma_start3A_979, %dma_start3A_980] : memref<512x32xf32, #tpu.memory_space<vmem>> -> memref<128x32xf32, #tpu.memory_space<vmem>>
    %dma_start3A_982 = arith.constant 0 : i32
    %dma_start3A_983 = tpu.memref_slice %arg9[%dma_start3A_978, %dma_start3A_982] : memref<4x128xi32, #tpu.memory_space<vmem>> -> memref<1x128xi32, #tpu.memory_space<vmem>>
    %dma_start3A_984 = tpu.memref_squeeze %dma_start3A_983 : memref<1x128xi32, #tpu.memory_space<vmem>> -> memref<128xi32, #tpu.memory_space<vmem>>
    %dma_start3A_985 = arith.constant 0 : i32
    %dma_start3A_986 = arith.constant 0 : i32
    %dma_start3A_987 = tpu.memref_slice %arg3[%dma_start3A_985, %dma_start3A_986] : memref<1000000x32xf32, #tpu.memory_space<hbm>> -> memref<1000000x32xf32, #tpu.memory_space<hbm>>
    tpu.enqueue_indirect_dma source(%dma_start3A_987 : memref<1000000x32xf32, #tpu.memory_space<hbm>>) target(%dma_start3A_981 : memref<128x32xf32, #tpu.memory_space<vmem>>) offsets(%dma_start3A_984 : memref<128xi32, #tpu.memory_space<vmem>>) semaphore(%arg14 : memref<!tpu.dma_semaphore, #tpu.memory_space<semaphore_mem>>)
    %dma_start3A_988 = arith.constant 0 : i32
    %dma_start3A_989 = arith.constant 0 : i32
    %dma_start3A_990 = arith.constant 0 : i32
    %dma_start3A_991 = tpu.memref_slice %arg13[%dma_start3A_989, %dma_start3A_990] : memref<512x32xf32, #tpu.memory_space<vmem>> -> memref<128x32xf32, #tpu.memory_space<vmem>>
    %dma_start3A_992 = arith.constant 0 : i32
    %dma_start3A_993 = tpu.memref_slice %arg10[%dma_start3A_988, %dma_start3A_992] : memref<4x128xi32, #tpu.memory_space<vmem>> -> memref<1x128xi32, #tpu.memory_space<vmem>>
    %dma_start3A_994 = tpu.memref_squeeze %dma_start3A_993 : memref<1x128xi32, #tpu.memory_space<vmem>> -> memref<128xi32, #tpu.memory_space<vmem>>
    %dma_start3A_995 = arith.constant 0 : i32
    %dma_start3A_996 = arith.constant 0 : i32
    %dma_start3A_997 = tpu.memref_slice %arg3[%dma_start3A_995, %dma_start3A_996] : memref<1000000x32xf32, #tpu.memory_space<hbm>> -> memref<1000000x32xf32, #tpu.memory_space<hbm>>
    tpu.enqueue_indirect_dma source(%dma_start3A_997 : memref<1000000x32xf32, #tpu.memory_space<hbm>>) target(%dma_start3A_991 : memref<128x32xf32, #tpu.memory_space<vmem>>) offsets(%dma_start3A_994 : memref<128xi32, #tpu.memory_space<vmem>>) semaphore(%arg14 : memref<!tpu.dma_semaphore, #tpu.memory_space<semaphore_mem>>)
    %dma_start3A_998 = arith.constant 1 : i32
    %dma_start3A_999 = arith.constant 128 : i32
    %dma_start3A_1000 = arith.constant 0 : i32
    %dma_start3A_1001 = tpu.memref_slice %arg11[%dma_start3A_999, %dma_start3A_1000] : memref<512x32xf32, #tpu.memory_space<vmem>> -> memref<128x32xf32, #tpu.memory_space<vmem>>
    %dma_start3A_1002 = arith.constant 0 : i32
    %dma_start3A_1003 = tpu.memref_slice %arg8[%dma_start3A_998, %dma_start3A_1002] : memref<4x128xi32, #tpu.memory_space<vmem>> -> memref<1x128xi32, #tpu.memory_space<vmem>>
    %dma_start3A_1004 = tpu.memref_squeeze %dma_start3A_1003 : memref<1x128xi32, #tpu.memory_space<vmem>> -> memref<128xi32, #tpu.memory_space<vmem>>
    %dma_start3A_1005 = arith.constant 0 : i32
    %dma_start3A_1006 = arith.constant 0 : i32
    %dma_start3A_1007 = tpu.memref_slice %arg3[%dma_start3A_1005, %dma_start3A_1006] : memref<1000000x32xf32, #tpu.memory_space<hbm>> -> memref<1000000x32xf32, #tpu.memory_space<hbm>>
    tpu.enqueue_indirect_dma source(%dma_start3A_1007 : memref<1000000x32xf32, #tpu.memory_space<hbm>>) target(%dma_start3A_1001 : memref<128x32xf32, #tpu.memory_space<vmem>>) offsets(%dma_start3A_1004 : memref<128xi32, #tpu.memory_space<vmem>>) semaphore(%arg14 : memref<!tpu.dma_semaphore, #tpu.memory_space<semaphore_mem>>)
    %dma_start3A_1008 = arith.constant 1 : i32
    %dma_start3A_1009 = arith.constant 128 : i32
    %dma_start3A_1010 = arith.constant 0 : i32
    %dma_start3A_1011 = tpu.memref_slice %arg12[%dma_start3A_1009, %dma_start3A_1010] : memref<512x32xf32, #tpu.memory_space<vmem>> -> memref<128x32xf32, #tpu.memory_space<vmem>>
    %dma_start3A_1012 = arith.constant 0 : i32
    %dma_start3A_1013 = tpu.memref_slice %arg9[%dma_start3A_1008, %dma_start3A_1012] : memref<4x128xi32, #tpu.memory_space<vmem>> -> memref<1x128xi32, #tpu.memory_space<vmem>>
    %dma_start3A_1014 = tpu.memref_squeeze %dma_start3A_1013 : memref<1x128xi32, #tpu.memory_space<vmem>> -> memref<128xi32, #tpu.memory_space<vmem>>
    %dma_start3A_1015 = arith.constant 0 : i32
    %dma_start3A_1016 = arith.constant 0 : i32
    %dma_start3A_1017 = tpu.memref_slice %arg3[%dma_start3A_1015, %dma_start3A_1016] : memref<1000000x32xf32, #tpu.memory_space<hbm>> -> memref<1000000x32xf32, #tpu.memory_space<hbm>>
    tpu.enqueue_indirect_dma source(%dma_start3A_1017 : memref<1000000x32xf32, #tpu.memory_space<hbm>>) target(%dma_start3A_1011 : memref<128x32xf32, #tpu.memory_space<vmem>>) offsets(%dma_start3A_1014 : memref<128xi32, #tpu.memory_space<vmem>>) semaphore(%arg14 : memref<!tpu.dma_semaphore, #tpu.memory_space<semaphore_mem>>)
    %dma_start3A_1018 = arith.constant 1 : i32
    %dma_start3A_1019 = arith.constant 128 : i32
    %dma_start3A_1020 = arith.constant 0 : i32
    %dma_start3A_1021 = tpu.memref_slice %arg13[%dma_start3A_1019, %dma_start3A_1020] : memref<512x32xf32, #tpu.memory_space<vmem>> -> memref<128x32xf32, #tpu.memory_space<vmem>>
    %dma_start3A_1022 = arith.constant 0 : i32
    %dma_start3A_1023 = tpu.memref_slice %arg10[%dma_start3A_1018, %dma_start3A_1022] : memref<4x128xi32, #tpu.memory_space<vmem>> -> memref<1x128xi32, #tpu.memory_space<vmem>>
    %dma_start3A_1024 = tpu.memref_squeeze %dma_start3A_1023 : memref<1x128xi32, #tpu.memory_space<vmem>> -> memref<128xi32, #tpu.memory_space<vmem>>
    %dma_start3A_1025 = arith.constant 0 : i32
    %dma_start3A_1026 = arith.constant 0 : i32
    %dma_start3A_1027 = tpu.memref_slice %arg3[%dma_start3A_1025, %dma_start3A_1026] : memref<1000000x32xf32, #tpu.memory_space<hbm>> -> memref<1000000x32xf32, #tpu.memory_space<hbm>>
    tpu.enqueue_indirect_dma source(%dma_start3A_1027 : memref<1000000x32xf32, #tpu.memory_space<hbm>>) target(%dma_start3A_1021 : memref<128x32xf32, #tpu.memory_space<vmem>>) offsets(%dma_start3A_1024 : memref<128xi32, #tpu.memory_space<vmem>>) semaphore(%arg14 : memref<!tpu.dma_semaphore, #tpu.memory_space<semaphore_mem>>)
    %dma_start3A_1028 = arith.constant 2 : i32
    %dma_start3A_1029 = arith.constant 256 : i32
    %dma_start3A_1030 = arith.constant 0 : i32
    %dma_start3A_1031 = tpu.memref_slice %arg11[%dma_start3A_1029, %dma_start3A_1030] : memref<512x32xf32, #tpu.memory_space<vmem>> -> memref<128x32xf32, #tpu.memory_space<vmem>>
    %dma_start3A_1032 = arith.constant 0 : i32
    %dma_start3A_1033 = tpu.memref_slice %arg8[%dma_start3A_1028, %dma_start3A_1032] : memref<4x128xi32, #tpu.memory_space<vmem>> -> memref<1x128xi32, #tpu.memory_space<vmem>>
    %dma_start3A_1034 = tpu.memref_squeeze %dma_start3A_1033 : memref<1x128xi32, #tpu.memory_space<vmem>> -> memref<128xi32, #tpu.memory_space<vmem>>
    %dma_start3A_1035 = arith.constant 0 : i32
    %dma_start3A_1036 = arith.constant 0 : i32
    %dma_start3A_1037 = tpu.memref_slice %arg3[%dma_start3A_1035, %dma_start3A_1036] : memref<1000000x32xf32, #tpu.memory_space<hbm>> -> memref<1000000x32xf32, #tpu.memory_space<hbm>>
    tpu.enqueue_indirect_dma source(%dma_start3A_1037 : memref<1000000x32xf32, #tpu.memory_space<hbm>>) target(%dma_start3A_1031 : memref<128x32xf32, #tpu.memory_space<vmem>>) offsets(%dma_start3A_1034 : memref<128xi32, #tpu.memory_space<vmem>>) semaphore(%arg14 : memref<!tpu.dma_semaphore, #tpu.memory_space<semaphore_mem>>)
    %dma_start3A_1038 = arith.constant 2 : i32
    %dma_start3A_1039 = arith.constant 256 : i32
    %dma_start3A_1040 = arith.constant 0 : i32
    %dma_start3A_1041 = tpu.memref_slice %arg12[%dma_start3A_1039, %dma_start3A_1040] : memref<512x32xf32, #tpu.memory_space<vmem>> -> memref<128x32xf32, #tpu.memory_space<vmem>>
    %dma_start3A_1042 = arith.constant 0 : i32
    %dma_start3A_1043 = tpu.memref_slice %arg9[%dma_start3A_1038, %dma_start3A_1042] : memref<4x128xi32, #tpu.memory_space<vmem>> -> memref<1x128xi32, #tpu.memory_space<vmem>>
    %dma_start3A_1044 = tpu.memref_squeeze %dma_start3A_1043 : memref<1x128xi32, #tpu.memory_space<vmem>> -> memref<128xi32, #tpu.memory_space<vmem>>
    %dma_start3A_1045 = arith.constant 0 : i32
    %dma_start3A_1046 = arith.constant 0 : i32
    %dma_start3A_1047 = tpu.memref_slice %arg3[%dma_start3A_1045, %dma_start3A_1046] : memref<1000000x32xf32, #tpu.memory_space<hbm>> -> memref<1000000x32xf32, #tpu.memory_space<hbm>>
    tpu.enqueue_indirect_dma source(%dma_start3A_1047 : memref<1000000x32xf32, #tpu.memory_space<hbm>>) target(%dma_start3A_1041 : memref<128x32xf32, #tpu.memory_space<vmem>>) offsets(%dma_start3A_1044 : memref<128xi32, #tpu.memory_space<vmem>>) semaphore(%arg14 : memref<!tpu.dma_semaphore, #tpu.memory_space<semaphore_mem>>)
    %dma_start3A_1048 = arith.constant 2 : i32
    %dma_start3A_1049 = arith.constant 256 : i32
    %dma_start3A_1050 = arith.constant 0 : i32
    %dma_start3A_1051 = tpu.memref_slice %arg13[%dma_start3A_1049, %dma_start3A_1050] : memref<512x32xf32, #tpu.memory_space<vmem>> -> memref<128x32xf32, #tpu.memory_space<vmem>>
    %dma_start3A_1052 = arith.constant 0 : i32
    %dma_start3A_1053 = tpu.memref_slice %arg10[%dma_start3A_1048, %dma_start3A_1052] : memref<4x128xi32, #tpu.memory_space<vmem>> -> memref<1x128xi32, #tpu.memory_space<vmem>>
    %dma_start3A_1054 = tpu.memref_squeeze %dma_start3A_1053 : memref<1x128xi32, #tpu.memory_space<vmem>> -> memref<128xi32, #tpu.memory_space<vmem>>
    %dma_start3A_1055 = arith.constant 0 : i32
    %dma_start3A_1056 = arith.constant 0 : i32
    %dma_start3A_1057 = tpu.memref_slice %arg3[%dma_start3A_1055, %dma_start3A_1056] : memref<1000000x32xf32, #tpu.memory_space<hbm>> -> memref<1000000x32xf32, #tpu.memory_space<hbm>>
    tpu.enqueue_indirect_dma source(%dma_start3A_1057 : memref<1000000x32xf32, #tpu.memory_space<hbm>>) target(%dma_start3A_1051 : memref<128x32xf32, #tpu.memory_space<vmem>>) offsets(%dma_start3A_1054 : memref<128xi32, #tpu.memory_space<vmem>>) semaphore(%arg14 : memref<!tpu.dma_semaphore, #tpu.memory_space<semaphore_mem>>)
    %dma_start3A_1058 = arith.constant 3 : i32
    %dma_start3A_1059 = arith.constant 384 : i32
    %dma_start3A_1060 = arith.constant 0 : i32
    %dma_start3A_1061 = tpu.memref_slice %arg11[%dma_start3A_1059, %dma_start3A_1060] : memref<512x32xf32, #tpu.memory_space<vmem>> -> memref<128x32xf32, #tpu.memory_space<vmem>>
    %dma_start3A_1062 = arith.constant 0 : i32
    %dma_start3A_1063 = tpu.memref_slice %arg8[%dma_start3A_1058, %dma_start3A_1062] : memref<4x128xi32, #tpu.memory_space<vmem>> -> memref<1x128xi32, #tpu.memory_space<vmem>>
    %dma_start3A_1064 = tpu.memref_squeeze %dma_start3A_1063 : memref<1x128xi32, #tpu.memory_space<vmem>> -> memref<128xi32, #tpu.memory_space<vmem>>
    %dma_start3A_1065 = arith.constant 0 : i32
    %dma_start3A_1066 = arith.constant 0 : i32
    %dma_start3A_1067 = tpu.memref_slice %arg3[%dma_start3A_1065, %dma_start3A_1066] : memref<1000000x32xf32, #tpu.memory_space<hbm>> -> memref<1000000x32xf32, #tpu.memory_space<hbm>>
    tpu.enqueue_indirect_dma source(%dma_start3A_1067 : memref<1000000x32xf32, #tpu.memory_space<hbm>>) target(%dma_start3A_1061 : memref<128x32xf32, #tpu.memory_space<vmem>>) offsets(%dma_start3A_1064 : memref<128xi32, #tpu.memory_space<vmem>>) semaphore(%arg14 : memref<!tpu.dma_semaphore, #tpu.memory_space<semaphore_mem>>)
    %dma_start3A_1068 = arith.constant 3 : i32
    %dma_start3A_1069 = arith.constant 384 : i32
    %dma_start3A_1070 = arith.constant 0 : i32
    %dma_start3A_1071 = tpu.memref_slice %arg12[%dma_start3A_1069, %dma_start3A_1070] : memref<512x32xf32, #tpu.memory_space<vmem>> -> memref<128x32xf32, #tpu.memory_space<vmem>>
    %dma_start3A_1072 = arith.constant 0 : i32
    %dma_start3A_1073 = tpu.memref_slice %arg9[%dma_start3A_1068, %dma_start3A_1072] : memref<4x128xi32, #tpu.memory_space<vmem>> -> memref<1x128xi32, #tpu.memory_space<vmem>>
    %dma_start3A_1074 = tpu.memref_squeeze %dma_start3A_1073 : memref<1x128xi32, #tpu.memory_space<vmem>> -> memref<128xi32, #tpu.memory_space<vmem>>
    %dma_start3A_1075 = arith.constant 0 : i32
    %dma_start3A_1076 = arith.constant 0 : i32
    %dma_start3A_1077 = tpu.memref_slice %arg3[%dma_start3A_1075, %dma_start3A_1076] : memref<1000000x32xf32, #tpu.memory_space<hbm>> -> memref<1000000x32xf32, #tpu.memory_space<hbm>>
    tpu.enqueue_indirect_dma source(%dma_start3A_1077 : memref<1000000x32xf32, #tpu.memory_space<hbm>>) target(%dma_start3A_1071 : memref<128x32xf32, #tpu.memory_space<vmem>>) offsets(%dma_start3A_1074 : memref<128xi32, #tpu.memory_space<vmem>>) semaphore(%arg14 : memref<!tpu.dma_semaphore, #tpu.memory_space<semaphore_mem>>)
    %dma_start3A_1078 = arith.constant 3 : i32
    %dma_start3A_1079 = arith.constant 384 : i32
    %dma_start3A_1080 = arith.constant 0 : i32
    %dma_start3A_1081 = tpu.memref_slice %arg13[%dma_start3A_1079, %dma_start3A_1080] : memref<512x32xf32, #tpu.memory_space<vmem>> -> memref<128x32xf32, #tpu.memory_space<vmem>>
    %dma_start3A_1082 = arith.constant 0 : i32
    %dma_start3A_1083 = tpu.memref_slice %arg10[%dma_start3A_1078, %dma_start3A_1082] : memref<4x128xi32, #tpu.memory_space<vmem>> -> memref<1x128xi32, #tpu.memory_space<vmem>>
    %dma_start3A_1084 = tpu.memref_squeeze %dma_start3A_1083 : memref<1x128xi32, #tpu.memory_space<vmem>> -> memref<128xi32, #tpu.memory_space<vmem>>
    %dma_start3A_1085 = arith.constant 0 : i32
    %dma_start3A_1086 = arith.constant 0 : i32
    %dma_start3A_1087 = tpu.memref_slice %arg3[%dma_start3A_1085, %dma_start3A_1086] : memref<1000000x32xf32, #tpu.memory_space<hbm>> -> memref<1000000x32xf32, #tpu.memory_space<hbm>>
    tpu.enqueue_indirect_dma source(%dma_start3A_1087 : memref<1000000x32xf32, #tpu.memory_space<hbm>>) target(%dma_start3A_1081 : memref<128x32xf32, #tpu.memory_space<vmem>>) offsets(%dma_start3A_1084 : memref<128xi32, #tpu.memory_space<vmem>>) semaphore(%arg14 : memref<!tpu.dma_semaphore, #tpu.memory_space<semaphore_mem>>)
    %dma_wait3A = arith.constant 0 : i32
    %dma_wait3A_1088 = arith.constant 0 : i32
    %dma_wait3A_1089 = arith.constant 0 : i32
    %dma_wait3A_1090 = tpu.memref_slice %arg11[%dma_wait3A_1088, %dma_wait3A_1089] : memref<512x32xf32, #tpu.memory_space<vmem>> -> memref<128x32xf32, #tpu.memory_space<vmem>>
    %dma_wait3A_1091 = arith.constant 0 : i32
    %dma_wait3A_1092 = tpu.memref_slice %arg8[%dma_wait3A, %dma_wait3A_1091] : memref<4x128xi32, #tpu.memory_space<vmem>> -> memref<1x128xi32, #tpu.memory_space<vmem>>
    %dma_wait3A_1093 = tpu.memref_squeeze %dma_wait3A_1092 : memref<1x128xi32, #tpu.memory_space<vmem>> -> memref<128xi32, #tpu.memory_space<vmem>>
    %dma_wait3A_1094 = arith.constant 0 : i32
    %dma_wait3A_1095 = arith.constant 0 : i32
    %dma_wait3A_1096 = tpu.memref_slice %arg3[%dma_wait3A_1094, %dma_wait3A_1095] : memref<1000000x32xf32, #tpu.memory_space<hbm>> -> memref<1000000x32xf32, #tpu.memory_space<hbm>>
    tpu.wait_indirect_dma semaphore(%arg14 : memref<!tpu.dma_semaphore, #tpu.memory_space<semaphore_mem>>) src(%dma_wait3A_1096 : memref<1000000x32xf32, #tpu.memory_space<hbm>>) dst(%dma_wait3A_1090 : memref<128x32xf32, #tpu.memory_space<vmem>>)
    %dma_wait3A_1097 = arith.constant 0 : i32
    %dma_wait3A_1098 = arith.constant 0 : i32
    %dma_wait3A_1099 = arith.constant 0 : i32
    %dma_wait3A_1100 = tpu.memref_slice %arg12[%dma_wait3A_1098, %dma_wait3A_1099] : memref<512x32xf32, #tpu.memory_space<vmem>> -> memref<128x32xf32, #tpu.memory_space<vmem>>
    %dma_wait3A_1101 = arith.constant 0 : i32
    %dma_wait3A_1102 = tpu.memref_slice %arg9[%dma_wait3A_1097, %dma_wait3A_1101] : memref<4x128xi32, #tpu.memory_space<vmem>> -> memref<1x128xi32, #tpu.memory_space<vmem>>
    %dma_wait3A_1103 = tpu.memref_squeeze %dma_wait3A_1102 : memref<1x128xi32, #tpu.memory_space<vmem>> -> memref<128xi32, #tpu.memory_space<vmem>>
    %dma_wait3A_1104 = arith.constant 0 : i32
    %dma_wait3A_1105 = arith.constant 0 : i32
    %dma_wait3A_1106 = tpu.memref_slice %arg3[%dma_wait3A_1104, %dma_wait3A_1105] : memref<1000000x32xf32, #tpu.memory_space<hbm>> -> memref<1000000x32xf32, #tpu.memory_space<hbm>>
    tpu.wait_indirect_dma semaphore(%arg14 : memref<!tpu.dma_semaphore, #tpu.memory_space<semaphore_mem>>) src(%dma_wait3A_1106 : memref<1000000x32xf32, #tpu.memory_space<hbm>>) dst(%dma_wait3A_1100 : memref<128x32xf32, #tpu.memory_space<vmem>>)
    %dma_wait3A_1107 = arith.constant 0 : i32
    %dma_wait3A_1108 = arith.constant 0 : i32
    %dma_wait3A_1109 = arith.constant 0 : i32
    %dma_wait3A_1110 = tpu.memref_slice %arg13[%dma_wait3A_1108, %dma_wait3A_1109] : memref<512x32xf32, #tpu.memory_space<vmem>> -> memref<128x32xf32, #tpu.memory_space<vmem>>
    %dma_wait3A_1111 = arith.constant 0 : i32
    %dma_wait3A_1112 = tpu.memref_slice %arg10[%dma_wait3A_1107, %dma_wait3A_1111] : memref<4x128xi32, #tpu.memory_space<vmem>> -> memref<1x128xi32, #tpu.memory_space<vmem>>
    %dma_wait3A_1113 = tpu.memref_squeeze %dma_wait3A_1112 : memref<1x128xi32, #tpu.memory_space<vmem>> -> memref<128xi32, #tpu.memory_space<vmem>>
    %dma_wait3A_1114 = arith.constant 0 : i32
    %dma_wait3A_1115 = arith.constant 0 : i32
    %dma_wait3A_1116 = tpu.memref_slice %arg3[%dma_wait3A_1114, %dma_wait3A_1115] : memref<1000000x32xf32, #tpu.memory_space<hbm>> -> memref<1000000x32xf32, #tpu.memory_space<hbm>>
    tpu.wait_indirect_dma semaphore(%arg14 : memref<!tpu.dma_semaphore, #tpu.memory_space<semaphore_mem>>) src(%dma_wait3A_1116 : memref<1000000x32xf32, #tpu.memory_space<hbm>>) dst(%dma_wait3A_1110 : memref<128x32xf32, #tpu.memory_space<vmem>>)
    %dma_wait3A_1117 = arith.constant 1 : i32
    %dma_wait3A_1118 = arith.constant 128 : i32
    %dma_wait3A_1119 = arith.constant 0 : i32
    %dma_wait3A_1120 = tpu.memref_slice %arg11[%dma_wait3A_1118, %dma_wait3A_1119] : memref<512x32xf32, #tpu.memory_space<vmem>> -> memref<128x32xf32, #tpu.memory_space<vmem>>
    %dma_wait3A_1121 = arith.constant 0 : i32
    %dma_wait3A_1122 = tpu.memref_slice %arg8[%dma_wait3A_1117, %dma_wait3A_1121] : memref<4x128xi32, #tpu.memory_space<vmem>> -> memref<1x128xi32, #tpu.memory_space<vmem>>
    %dma_wait3A_1123 = tpu.memref_squeeze %dma_wait3A_1122 : memref<1x128xi32, #tpu.memory_space<vmem>> -> memref<128xi32, #tpu.memory_space<vmem>>
    %dma_wait3A_1124 = arith.constant 0 : i32
    %dma_wait3A_1125 = arith.constant 0 : i32
    %dma_wait3A_1126 = tpu.memref_slice %arg3[%dma_wait3A_1124, %dma_wait3A_1125] : memref<1000000x32xf32, #tpu.memory_space<hbm>> -> memref<1000000x32xf32, #tpu.memory_space<hbm>>
    tpu.wait_indirect_dma semaphore(%arg14 : memref<!tpu.dma_semaphore, #tpu.memory_space<semaphore_mem>>) src(%dma_wait3A_1126 : memref<1000000x32xf32, #tpu.memory_space<hbm>>) dst(%dma_wait3A_1120 : memref<128x32xf32, #tpu.memory_space<vmem>>)
    %dma_wait3A_1127 = arith.constant 1 : i32
    %dma_wait3A_1128 = arith.constant 128 : i32
    %dma_wait3A_1129 = arith.constant 0 : i32
    %dma_wait3A_1130 = tpu.memref_slice %arg12[%dma_wait3A_1128, %dma_wait3A_1129] : memref<512x32xf32, #tpu.memory_space<vmem>> -> memref<128x32xf32, #tpu.memory_space<vmem>>
    %dma_wait3A_1131 = arith.constant 0 : i32
    %dma_wait3A_1132 = tpu.memref_slice %arg9[%dma_wait3A_1127, %dma_wait3A_1131] : memref<4x128xi32, #tpu.memory_space<vmem>> -> memref<1x128xi32, #tpu.memory_space<vmem>>
    %dma_wait3A_1133 = tpu.memref_squeeze %dma_wait3A_1132 : memref<1x128xi32, #tpu.memory_space<vmem>> -> memref<128xi32, #tpu.memory_space<vmem>>
    %dma_wait3A_1134 = arith.constant 0 : i32
    %dma_wait3A_1135 = arith.constant 0 : i32
    %dma_wait3A_1136 = tpu.memref_slice %arg3[%dma_wait3A_1134, %dma_wait3A_1135] : memref<1000000x32xf32, #tpu.memory_space<hbm>> -> memref<1000000x32xf32, #tpu.memory_space<hbm>>
    tpu.wait_indirect_dma semaphore(%arg14 : memref<!tpu.dma_semaphore, #tpu.memory_space<semaphore_mem>>) src(%dma_wait3A_1136 : memref<1000000x32xf32, #tpu.memory_space<hbm>>) dst(%dma_wait3A_1130 : memref<128x32xf32, #tpu.memory_space<vmem>>)
    %dma_wait3A_1137 = arith.constant 1 : i32
    %dma_wait3A_1138 = arith.constant 128 : i32
    %dma_wait3A_1139 = arith.constant 0 : i32
    %dma_wait3A_1140 = tpu.memref_slice %arg13[%dma_wait3A_1138, %dma_wait3A_1139] : memref<512x32xf32, #tpu.memory_space<vmem>> -> memref<128x32xf32, #tpu.memory_space<vmem>>
    %dma_wait3A_1141 = arith.constant 0 : i32
    %dma_wait3A_1142 = tpu.memref_slice %arg10[%dma_wait3A_1137, %dma_wait3A_1141] : memref<4x128xi32, #tpu.memory_space<vmem>> -> memref<1x128xi32, #tpu.memory_space<vmem>>
    %dma_wait3A_1143 = tpu.memref_squeeze %dma_wait3A_1142 : memref<1x128xi32, #tpu.memory_space<vmem>> -> memref<128xi32, #tpu.memory_space<vmem>>
    %dma_wait3A_1144 = arith.constant 0 : i32
    %dma_wait3A_1145 = arith.constant 0 : i32
    %dma_wait3A_1146 = tpu.memref_slice %arg3[%dma_wait3A_1144, %dma_wait3A_1145] : memref<1000000x32xf32, #tpu.memory_space<hbm>> -> memref<1000000x32xf32, #tpu.memory_space<hbm>>
    tpu.wait_indirect_dma semaphore(%arg14 : memref<!tpu.dma_semaphore, #tpu.memory_space<semaphore_mem>>) src(%dma_wait3A_1146 : memref<1000000x32xf32, #tpu.memory_space<hbm>>) dst(%dma_wait3A_1140 : memref<128x32xf32, #tpu.memory_space<vmem>>)
    %dma_wait3A_1147 = arith.constant 2 : i32
    %dma_wait3A_1148 = arith.constant 256 : i32
    %dma_wait3A_1149 = arith.constant 0 : i32
    %dma_wait3A_1150 = tpu.memref_slice %arg11[%dma_wait3A_1148, %dma_wait3A_1149] : memref<512x32xf32, #tpu.memory_space<vmem>> -> memref<128x32xf32, #tpu.memory_space<vmem>>
    %dma_wait3A_1151 = arith.constant 0 : i32
    %dma_wait3A_1152 = tpu.memref_slice %arg8[%dma_wait3A_1147, %dma_wait3A_1151] : memref<4x128xi32, #tpu.memory_space<vmem>> -> memref<1x128xi32, #tpu.memory_space<vmem>>
    %dma_wait3A_1153 = tpu.memref_squeeze %dma_wait3A_1152 : memref<1x128xi32, #tpu.memory_space<vmem>> -> memref<128xi32, #tpu.memory_space<vmem>>
    %dma_wait3A_1154 = arith.constant 0 : i32
    %dma_wait3A_1155 = arith.constant 0 : i32
    %dma_wait3A_1156 = tpu.memref_slice %arg3[%dma_wait3A_1154, %dma_wait3A_1155] : memref<1000000x32xf32, #tpu.memory_space<hbm>> -> memref<1000000x32xf32, #tpu.memory_space<hbm>>
    tpu.wait_indirect_dma semaphore(%arg14 : memref<!tpu.dma_semaphore, #tpu.memory_space<semaphore_mem>>) src(%dma_wait3A_1156 : memref<1000000x32xf32, #tpu.memory_space<hbm>>) dst(%dma_wait3A_1150 : memref<128x32xf32, #tpu.memory_space<vmem>>)
    %dma_wait3A_1157 = arith.constant 2 : i32
    %dma_wait3A_1158 = arith.constant 256 : i32
    %dma_wait3A_1159 = arith.constant 0 : i32
    %dma_wait3A_1160 = tpu.memref_slice %arg12[%dma_wait3A_1158, %dma_wait3A_1159] : memref<512x32xf32, #tpu.memory_space<vmem>> -> memref<128x32xf32, #tpu.memory_space<vmem>>
    %dma_wait3A_1161 = arith.constant 0 : i32
    %dma_wait3A_1162 = tpu.memref_slice %arg9[%dma_wait3A_1157, %dma_wait3A_1161] : memref<4x128xi32, #tpu.memory_space<vmem>> -> memref<1x128xi32, #tpu.memory_space<vmem>>
    %dma_wait3A_1163 = tpu.memref_squeeze %dma_wait3A_1162 : memref<1x128xi32, #tpu.memory_space<vmem>> -> memref<128xi32, #tpu.memory_space<vmem>>
    %dma_wait3A_1164 = arith.constant 0 : i32
    %dma_wait3A_1165 = arith.constant 0 : i32
    %dma_wait3A_1166 = tpu.memref_slice %arg3[%dma_wait3A_1164, %dma_wait3A_1165] : memref<1000000x32xf32, #tpu.memory_space<hbm>> -> memref<1000000x32xf32, #tpu.memory_space<hbm>>
    tpu.wait_indirect_dma semaphore(%arg14 : memref<!tpu.dma_semaphore, #tpu.memory_space<semaphore_mem>>) src(%dma_wait3A_1166 : memref<1000000x32xf32, #tpu.memory_space<hbm>>) dst(%dma_wait3A_1160 : memref<128x32xf32, #tpu.memory_space<vmem>>)
    %dma_wait3A_1167 = arith.constant 2 : i32
    %dma_wait3A_1168 = arith.constant 256 : i32
    %dma_wait3A_1169 = arith.constant 0 : i32
    %dma_wait3A_1170 = tpu.memref_slice %arg13[%dma_wait3A_1168, %dma_wait3A_1169] : memref<512x32xf32, #tpu.memory_space<vmem>> -> memref<128x32xf32, #tpu.memory_space<vmem>>
    %dma_wait3A_1171 = arith.constant 0 : i32
    %dma_wait3A_1172 = tpu.memref_slice %arg10[%dma_wait3A_1167, %dma_wait3A_1171] : memref<4x128xi32, #tpu.memory_space<vmem>> -> memref<1x128xi32, #tpu.memory_space<vmem>>
    %dma_wait3A_1173 = tpu.memref_squeeze %dma_wait3A_1172 : memref<1x128xi32, #tpu.memory_space<vmem>> -> memref<128xi32, #tpu.memory_space<vmem>>
    %dma_wait3A_1174 = arith.constant 0 : i32
    %dma_wait3A_1175 = arith.constant 0 : i32
    %dma_wait3A_1176 = tpu.memref_slice %arg3[%dma_wait3A_1174, %dma_wait3A_1175] : memref<1000000x32xf32, #tpu.memory_space<hbm>> -> memref<1000000x32xf32, #tpu.memory_space<hbm>>
    tpu.wait_indirect_dma semaphore(%arg14 : memref<!tpu.dma_semaphore, #tpu.memory_space<semaphore_mem>>) src(%dma_wait3A_1176 : memref<1000000x32xf32, #tpu.memory_space<hbm>>) dst(%dma_wait3A_1170 : memref<128x32xf32, #tpu.memory_space<vmem>>)
    %dma_wait3A_1177 = arith.constant 3 : i32
    %dma_wait3A_1178 = arith.constant 384 : i32
    %dma_wait3A_1179 = arith.constant 0 : i32
    %dma_wait3A_1180 = tpu.memref_slice %arg11[%dma_wait3A_1178, %dma_wait3A_1179] : memref<512x32xf32, #tpu.memory_space<vmem>> -> memref<128x32xf32, #tpu.memory_space<vmem>>
    %dma_wait3A_1181 = arith.constant 0 : i32
    %dma_wait3A_1182 = tpu.memref_slice %arg8[%dma_wait3A_1177, %dma_wait3A_1181] : memref<4x128xi32, #tpu.memory_space<vmem>> -> memref<1x128xi32, #tpu.memory_space<vmem>>
    %dma_wait3A_1183 = tpu.memref_squeeze %dma_wait3A_1182 : memref<1x128xi32, #tpu.memory_space<vmem>> -> memref<128xi32, #tpu.memory_space<vmem>>
    %dma_wait3A_1184 = arith.constant 0 : i32
    %dma_wait3A_1185 = arith.constant 0 : i32
    %dma_wait3A_1186 = tpu.memref_slice %arg3[%dma_wait3A_1184, %dma_wait3A_1185] : memref<1000000x32xf32, #tpu.memory_space<hbm>> -> memref<1000000x32xf32, #tpu.memory_space<hbm>>
    tpu.wait_indirect_dma semaphore(%arg14 : memref<!tpu.dma_semaphore, #tpu.memory_space<semaphore_mem>>) src(%dma_wait3A_1186 : memref<1000000x32xf32, #tpu.memory_space<hbm>>) dst(%dma_wait3A_1180 : memref<128x32xf32, #tpu.memory_space<vmem>>)
    %dma_wait3A_1187 = arith.constant 3 : i32
    %dma_wait3A_1188 = arith.constant 384 : i32
    %dma_wait3A_1189 = arith.constant 0 : i32
    %dma_wait3A_1190 = tpu.memref_slice %arg12[%dma_wait3A_1188, %dma_wait3A_1189] : memref<512x32xf32, #tpu.memory_space<vmem>> -> memref<128x32xf32, #tpu.memory_space<vmem>>
    %dma_wait3A_1191 = arith.constant 0 : i32
    %dma_wait3A_1192 = tpu.memref_slice %arg9[%dma_wait3A_1187, %dma_wait3A_1191] : memref<4x128xi32, #tpu.memory_space<vmem>> -> memref<1x128xi32, #tpu.memory_space<vmem>>
    %dma_wait3A_1193 = tpu.memref_squeeze %dma_wait3A_1192 : memref<1x128xi32, #tpu.memory_space<vmem>> -> memref<128xi32, #tpu.memory_space<vmem>>
    %dma_wait3A_1194 = arith.constant 0 : i32
    %dma_wait3A_1195 = arith.constant 0 : i32
    %dma_wait3A_1196 = tpu.memref_slice %arg3[%dma_wait3A_1194, %dma_wait3A_1195] : memref<1000000x32xf32, #tpu.memory_space<hbm>> -> memref<1000000x32xf32, #tpu.memory_space<hbm>>
    tpu.wait_indirect_dma semaphore(%arg14 : memref<!tpu.dma_semaphore, #tpu.memory_space<semaphore_mem>>) src(%dma_wait3A_1196 : memref<1000000x32xf32, #tpu.memory_space<hbm>>) dst(%dma_wait3A_1190 : memref<128x32xf32, #tpu.memory_space<vmem>>)
    %dma_wait3A_1197 = arith.constant 3 : i32
    %dma_wait3A_1198 = arith.constant 384 : i32
    %dma_wait3A_1199 = arith.constant 0 : i32
    %dma_wait3A_1200 = tpu.memref_slice %arg13[%dma_wait3A_1198, %dma_wait3A_1199] : memref<512x32xf32, #tpu.memory_space<vmem>> -> memref<128x32xf32, #tpu.memory_space<vmem>>
    %dma_wait3A_1201 = arith.constant 0 : i32
    %dma_wait3A_1202 = tpu.memref_slice %arg10[%dma_wait3A_1197, %dma_wait3A_1201] : memref<4x128xi32, #tpu.memory_space<vmem>> -> memref<1x128xi32, #tpu.memory_space<vmem>>
    %dma_wait3A_1203 = tpu.memref_squeeze %dma_wait3A_1202 : memref<1x128xi32, #tpu.memory_space<vmem>> -> memref<128xi32, #tpu.memory_space<vmem>>
    %dma_wait3A_1204 = arith.constant 0 : i32
    %dma_wait3A_1205 = arith.constant 0 : i32
    %dma_wait3A_1206 = tpu.memref_slice %arg3[%dma_wait3A_1204, %dma_wait3A_1205] : memref<1000000x32xf32, #tpu.memory_space<hbm>> -> memref<1000000x32xf32, #tpu.memory_space<hbm>>
    tpu.wait_indirect_dma semaphore(%arg14 : memref<!tpu.dma_semaphore, #tpu.memory_space<semaphore_mem>>) src(%dma_wait3A_1206 : memref<1000000x32xf32, #tpu.memory_space<hbm>>) dst(%dma_wait3A_1200 : memref<128x32xf32, #tpu.memory_space<vmem>>)
    "tpu.region"() ({
      %run_scoped3A = tpu.sem_alloc : memref<!tpu.dma_semaphore, #tpu.memory_space<semaphore_mem>>
      %dma_start3A_1207 = arith.constant 0 : i32
      %dma_start3A_1208 = tpu.memref_slice %arg4[%mul3A_2, %dma_start3A_1207] : memref<16384x32xf32, #tpu.memory_space<hbm>> -> memref<512x32xf32, #tpu.memory_space<hbm>>
      %dma_start3A_1209 = arith.constant 0 : i32
      %dma_start3A_1210 = tpu.memref_slice %arg4[%mul3A_2, %dma_start3A_1209] : memref<16384x32xf32, #tpu.memory_space<hbm>> -> memref<512x32xf32, #tpu.memory_space<hbm>>
      tpu.enqueue_dma source(%arg11 : memref<512x32xf32, #tpu.memory_space<vmem>>) target(%dma_start3A_1210 : memref<512x32xf32, #tpu.memory_space<hbm>>) target_semaphore(%run_scoped3A : memref<!tpu.dma_semaphore, #tpu.memory_space<semaphore_mem>>)
      %dma_wait3A_1211 = arith.constant 0 : i32
      %dma_wait3A_1212 = tpu.memref_slice %arg4[%mul3A_2, %dma_wait3A_1211] : memref<16384x32xf32, #tpu.memory_space<hbm>> -> memref<512x32xf32, #tpu.memory_space<hbm>>
      %dma_wait3A_1213 = arith.constant 0 : i32
      %dma_wait3A_1214 = tpu.memref_slice %arg4[%mul3A_2, %dma_wait3A_1213] : memref<16384x32xf32, #tpu.memory_space<hbm>> -> memref<512x32xf32, #tpu.memory_space<hbm>>
      tpu.wait_dma2 semaphore(%run_scoped3A : memref<!tpu.dma_semaphore, #tpu.memory_space<semaphore_mem>>) src(%arg11 : memref<512x32xf32, #tpu.memory_space<vmem>>) dst(%dma_wait3A_1214 : memref<512x32xf32, #tpu.memory_space<hbm>>)
      tpu.yield
    }) : () -> ()
    "tpu.region"() ({
      %run_scoped3A = tpu.sem_alloc : memref<!tpu.dma_semaphore, #tpu.memory_space<semaphore_mem>>
      %dma_start3A_1207 = arith.constant 0 : i32
      %dma_start3A_1208 = tpu.memref_slice %arg5[%mul3A_2, %dma_start3A_1207] : memref<16384x32xf32, #tpu.memory_space<hbm>> -> memref<512x32xf32, #tpu.memory_space<hbm>>
      %dma_start3A_1209 = arith.constant 0 : i32
      %dma_start3A_1210 = tpu.memref_slice %arg5[%mul3A_2, %dma_start3A_1209] : memref<16384x32xf32, #tpu.memory_space<hbm>> -> memref<512x32xf32, #tpu.memory_space<hbm>>
      tpu.enqueue_dma source(%arg12 : memref<512x32xf32, #tpu.memory_space<vmem>>) target(%dma_start3A_1210 : memref<512x32xf32, #tpu.memory_space<hbm>>) target_semaphore(%run_scoped3A : memref<!tpu.dma_semaphore, #tpu.memory_space<semaphore_mem>>)
      %dma_wait3A_1211 = arith.constant 0 : i32
      %dma_wait3A_1212 = tpu.memref_slice %arg5[%mul3A_2, %dma_wait3A_1211] : memref<16384x32xf32, #tpu.memory_space<hbm>> -> memref<512x32xf32, #tpu.memory_space<hbm>>
      %dma_wait3A_1213 = arith.constant 0 : i32
      %dma_wait3A_1214 = tpu.memref_slice %arg5[%mul3A_2, %dma_wait3A_1213] : memref<16384x32xf32, #tpu.memory_space<hbm>> -> memref<512x32xf32, #tpu.memory_space<hbm>>
      tpu.wait_dma2 semaphore(%run_scoped3A : memref<!tpu.dma_semaphore, #tpu.memory_space<semaphore_mem>>) src(%arg12 : memref<512x32xf32, #tpu.memory_space<vmem>>) dst(%dma_wait3A_1214 : memref<512x32xf32, #tpu.memory_space<hbm>>)
      tpu.yield
    }) : () -> ()
    "tpu.region"() ({
      %run_scoped3A = tpu.sem_alloc : memref<!tpu.dma_semaphore, #tpu.memory_space<semaphore_mem>>
      %dma_start3A_1207 = arith.constant 0 : i32
      %dma_start3A_1208 = tpu.memref_slice %arg6[%mul3A_2, %dma_start3A_1207] : memref<16384x32xf32, #tpu.memory_space<hbm>> -> memref<512x32xf32, #tpu.memory_space<hbm>>
      %dma_start3A_1209 = arith.constant 0 : i32
      %dma_start3A_1210 = tpu.memref_slice %arg6[%mul3A_2, %dma_start3A_1209] : memref<16384x32xf32, #tpu.memory_space<hbm>> -> memref<512x32xf32, #tpu.memory_space<hbm>>
      tpu.enqueue_dma source(%arg13 : memref<512x32xf32, #tpu.memory_space<vmem>>) target(%dma_start3A_1210 : memref<512x32xf32, #tpu.memory_space<hbm>>) target_semaphore(%run_scoped3A : memref<!tpu.dma_semaphore, #tpu.memory_space<semaphore_mem>>)
      %dma_wait3A_1211 = arith.constant 0 : i32
      %dma_wait3A_1212 = tpu.memref_slice %arg6[%mul3A_2, %dma_wait3A_1211] : memref<16384x32xf32, #tpu.memory_space<hbm>> -> memref<512x32xf32, #tpu.memory_space<hbm>>
      %dma_wait3A_1213 = arith.constant 0 : i32
      %dma_wait3A_1214 = tpu.memref_slice %arg6[%mul3A_2, %dma_wait3A_1213] : memref<16384x32xf32, #tpu.memory_space<hbm>> -> memref<512x32xf32, #tpu.memory_space<hbm>>
      tpu.wait_dma2 semaphore(%run_scoped3A : memref<!tpu.dma_semaphore, #tpu.memory_space<semaphore_mem>>) src(%arg13 : memref<512x32xf32, #tpu.memory_space<vmem>>) dst(%dma_wait3A_1214 : memref<512x32xf32, #tpu.memory_space<hbm>>)
      tpu.yield
    }) : () -> ()
    return
  }
}

</mosaic_0001>

<sc_bundles>
// kernel: kernel.3.cloned.1.call-start
scs
__scs_entry_jumppad:
0x0: {  	(pc) =	sbr.rel $0x88, $3  }
0x1: {  	(tag) =	ssettag $0x0;
	lr =	simm.s32 $0x1  }
0x2: {  	[smem:$0x3F9F] =	sst lr;
	_ =	strace $0xD0000000  }
0x3: {  	_ = 	snop  }
0x4: {  	_ = 	snop  }
0x5: {  	_ = 	snop  }
0x6: {  	_ = 	snop  }
0x7: {  	_ = 	snop  }
__scs_overlays_trampoline_lowered:
0x8: {  	[smem:$0x3FAE] =	sst s0  }
0x9: {  	[smem:$0x3FAF] =	sst s1  }
0xa: {  	[smem:$0x3FB0] =	sst s2  }
0xb: {  	[smem:$0x3FB1] =	sst s3  }
0xc: {  	[smem:$0x3FB2] =	sst s4  }
0xd: {  	[smem:$0x3FB3] =	sst s5  }
0xe: {  	[smem:$0x3FB4] =	sst s6  }
0xf: {  	[smem:$0x3FB5] =	sst s7  }
0x10: {  	[smem:$0x3FB6] =	sst s8  }
0x11: {  	[smem:$0x3FB7] =	sst s9;
	s0 =	simm.s32 @!p0 $0x0  }
0x12: {  	s1 =	sld [smem:$0x3F9D];
	s0 =	simm.s32 @p0 $0x1  }
0x13: {  	[smem:$0x3FB8] =	sst s0;
	s0 =	simm.s32 @!p1 $0x0  }
0x14: {  	s2 =	sld [smem:$0x3F9C];
	s0 =	simm.s32 @p1 $0x1  }
0x15: {  	[smem:$0x3FB9] =	sst s0;
	s0 =	simm.s32 @!p2 $0x0  }
0x16: {  	s3 =	sld [smem:$0x3FDB];
	s0 =	simm.s32 @p2 $0x1  }
0x17: {  	s4 =	simm.s32 $0x1BF5;
	[smem:$0x3FBB] =	sst s0  }
0x18: {  	s0 =	sld [smem:$0x3F9E];
	_ =	swait.ge [sflag:s4], $0x0  }
0x19: {  	s7 =	sld [smem:$0x3F9F]  }
0x1a: {  	s8 =	sadd.s32 $0xFFFFE003, lr  }
0x1b: {  	s9 =	sadd.s32 $0xFFFFFEF7, lr;
	s5 =	simm.s32 $0xFFFFFFFF;
	p2 =	slt.u32 s8, $0xFFFFF086  }
0x1c: {  	p1 =	slt.u32 s9, $0xF7A;
	s5 =	simm.s32 @!p2 $0x0  }
0x1d: {  	s5 =	simm.s32 @p1 $0x1;
	p0 =	seq.s32 s7, s2  }
0x1e: {  	s7 =	smul.u32 @!p0 $0xF7A, s2;
	p2 =	seq.s32 @!p0 s5, $0x0  }
0x1f: {  	s9 =	smul.u32 $0xF7A, s1;
	s8 =	simm.s32 @!p0 $0x1BF5;
	p2 =	por !p2, p0  }
0x20: {  	[sflag:s8] =	ssyncset.s32 @!p0 $0xFFFFF086;
	s6 =	sadd.s32 @!p0 s3, s7;
	s7 =	simm.s32 @!p0 $0x108  }
0x21: {  	s3 =	sadd.s32 s3, s9;
	s6 =	sadd.s32 @!p0 $0x88, s6;
	s7 =	simm.s32 @p2 $0x1082  }
0x22: {  	[simem:s7], [sflag:s8] =	dma.local @!p0 [hbm:s6], $0xF7A  }
0x23: {  	s9 =	sor.u32 $0xD0000000, s2;
	s6 =	simm.s32 $0x108;
	_ =	swait.ge @!p0 [sflag:s8], $0x0  }
0x24: {  	s3 =	sadd.s32 $0x88, s3;
	s6 =	simm.s32 @!p1 $0x1082;
	[sflag:s4] =	ssyncset.s32 $0xFFFFF086  }
0x25: {  	[simem:s6], [sflag:s4] =	dma.local [hbm:s3], $0xF7A  }
0x26: {  	[smem:$0x3F9F] =	sst s1;
	(tag) =	ssettag s2;
	_ =	strace s9  }
0x27: {  	s1 =	sld [smem:$0x3FAF]  }
0x28: {  	s2 =	sld [smem:$0x3FB0]  }
0x29: {  	s4 =	sld [smem:$0x3FB2]  }
0x2a: {  	p0 =	seq.s32 s5, $0x0;
	s5 =	sld [smem:$0x3FB3]  }
0x2b: {  	s6 =	sld [smem:$0x3FB4]  }
0x2c: {  	s7 =	sld [smem:$0x3FB5]  }
0x2d: {  	s3 =	simm.s32 $0x108;
	s8 =	sld [smem:$0x3FB6]  }
0x2e: {  	s3 =	simm.s32 @!p0 $0x1082;
	s9 =	sld [smem:$0x3FB7]  }
0x2f: {  	lr =	sadd.s32 s0, s3;
	s0 =	sld [smem:$0x3FAE]  }
0x30: {  	s3 =	sld [smem:$0x3FB1]  }
0x31: {  	[smem:$0x3FBA] =	sst s10  }
0x32: {  	s10 =	sld [smem:$0x3FB8];
	_ =	sdelay $0x3  }
0x33: {  	p0 =	seq.s32 s10, $0x1;
	s10 =	sld [smem:$0x3FBA];
	_ =	sdelay $0x3  }
0x34: {  	[smem:$0x3FBA] =	sst s10  }
0x35: {  	s10 =	sld [smem:$0x3FB9];
	_ =	sdelay $0x3  }
0x36: {  	p1 =	seq.s32 s10, $0x1;
	s10 =	sld [smem:$0x3FBA];
	_ =	sdelay $0x3  }
0x37: {  	[smem:$0x3FBA] =	sst s10  }
0x38: {  	s10 =	sld [smem:$0x3FBB]  }
0x39: {  	_ = 	snop;
	(pc) =	sbr.ind lr, $3  }
0x3a: {  	_ = 	snop  }
0x3b: {  	_ = 	snop  }
0x3c: {  	p2 =	seq.s32 s10, $0x1;
	s10 =	sld [smem:$0x3FBA]  }
0x3d: {  	_ =	shalt  }
0x3e: {  	_ =	shalt  }
0x3f: {  	_ =	shalt  }
0x40: {  	_ =	shalt  }
0x41: {  	_ =	shalt  }
0x42: {  	_ =	shalt  }
0x43: {  	_ =	shalt  }
0x44: {  	_ =	shalt  }
0x45: {  	_ =	shalt  }
0x46: {  	_ =	shalt  }
0x47: {  	_ =	shalt  }
0x48: {  	_ =	shalt  }
0x49: {  	_ =	shalt  }
0x4a: {  	_ =	shalt  }
0x4b: {  	_ =	shalt  }
0x4c: {  	_ =	shalt  }
0x4d: {  	_ =	shalt  }
0x4e: {  	_ =	shalt  }
0x4f: {  	_ =	shalt  }
0x50: {  	_ =	shalt  }
0x51: {  	_ =	shalt  }
0x52: {  	_ =	shalt  }
0x53: {  	_ =	shalt  }
0x54: {  	_ =	shalt  }
0x55: {  	_ =	shalt  }
0x56: {  	_ =	shalt  }
0x57: {  	_ =	shalt  }
0x58: {  	_ =	shalt  }
0x59: {  	_ =	shalt  }
0x5a: {  	_ =	shalt  }
0x5b: {  	_ =	shalt  }
0x5c: {  	_ =	shalt  }
0x5d: {  	_ =	shalt  }
0x5e: {  	_ =	shalt  }
0x5f: {  	_ =	shalt  }
0x60: {  	_ =	shalt  }
0x61: {  	_ =	shalt  }
0x62: {  	_ =	shalt  }
0x63: {  	_ =	shalt  }
0x64: {  	_ =	shalt  }
0x65: {  	_ =	shalt  }
0x66: {  	_ =	shalt  }
0x67: {  	_ =	shalt  }
0x68: {  	_ =	shalt  }
0x69: {  	_ =	shalt  }
0x6a: {  	_ =	shalt  }
0x6b: {  	_ =	shalt  }
0x6c: {  	_ =	shalt  }
0x6d: {  	_ =	shalt  }
0x6e: {  	_ =	shalt  }
0x6f: {  	_ =	shalt  }
0x70: {  	_ =	shalt  }
0x71: {  	_ =	shalt  }
0x72: {  	_ =	shalt  }
0x73: {  	_ =	shalt  }
0x74: {  	_ =	shalt  }
0x75: {  	_ =	shalt  }
0x76: {  	_ =	shalt  }
0x77: {  	_ =	shalt  }
0x78: {  	_ =	shalt  }
0x79: {  	_ =	shalt  }
0x7a: {  	_ =	shalt  }
0x7b: {  	_ =	shalt  }
0x7c: {  	_ =	shalt  }
0x7d: {  	_ =	shalt  }
0x7e: {  	_ =	shalt  }
0x7f: {  	_ =	shalt  }
0x80: {  	_ =	shalt  }
0x81: {  	_ =	shalt  }
0x82: {  	_ =	shalt  }
0x83: {  	_ =	shalt  }
0x84: {  	_ =	shalt  }
0x85: {  	_ =	shalt  }
0x86: {  	_ =	shalt  }
0x87: {  	_ =	shalt  }
.Lfunc_end0:
.L_simem_size_0:
called_computation_lowered:
.L_overlay_start_0:
0x88: {  	s2 =	sld [smem:$0x3FD9]  }
0x89: {  	s3 =	sld [smem:$0x3FFE];
	_ =	sdelay $0x1  }
0x8a: {  	s1 =	srdreg.scid  }
0x8b: {  	s0 =	sand.u32 $0x1, s1  }
0x8c: {  	s14 =	sshll.u32 s0, $0xA;
	s2 =	sadd.s32 s3, s2  }
0x8d: {  	s2 =	sadd.s32 s2, s14  }
0x8e: {  	[smem:$0x3FC6] =	sst s2  }
0x8f: {  	_ = 	snop  }
0x90: {  	s2 =	sld [smem:$0x3FD0];
	_ =	sdelay $0x2  }
0x91: {  	s15 =	simm.s32 $0xA;
	s4 =	simm.s32 $0x10  }
0x92: {  	[smem:s4], [sflag:s15] =	dma.local [hbm:s2], $0x1  }
0x93: {  	_ =	swait.eq [sflag:s15], $0x1  }
0x94: {  	s16 =	sld [smem:$0x10];
	[sflag:s15] =	ssyncset.done $0x0  }
0x95: {  	s17 =	sld [smem:$0x11];
	[sflag:s15] =	ssyncadd.s32 $0xFFFFFFFF  }
0x96: {  	s18 =	sld [smem:$0x12];
	(tm) =	ssettm $0x1  }
0x97: {  	s5 =	sld [smem:$0x3FFB];
	_ =	sdelay $0x3  }
0x98: {  	_ =	strace s5  }
0x99: {  	s5 =	sld [smem:$0x3FFC];
	_ =	sdelay $0x3  }
0x9a: {  	_ =	strace s5  }
0x9b: {  	s5 =	sld [smem:$0x3FFD];
	_ =	sdelay $0x3  }
0x9c: {  	_ =	strace s5  }
0x9d: {  	_ =	strace $0x8FFFFFFF  }
0x9e: {  	s19 =	sld [smem:$0x3FDB];
	_ =	sdelay $0x1  }
0x9f: {  	s6 =	simm.s32 $_scs_section_size  }
0xa0: {  	s7 =	simm.s32 $_size__tile_overlayer_lowered;
	s8 =	simm.s32 $_tile_overlayer_lowered  }
0xa1: {  	s22 =	simm.s32 $0x1BFF;
	s21 =	sshll.u32 s8, $0x1;
	s5 =	sadd.s32 s6, s19  }
0xa2: {  	s9 =	simm.s32 $0x0;
	s20 =	sshll.u32 s7, $0x1;
	s7 =	sadd.s32 s21, s5  }
0xa3: {  	[timem:s9], [sflag:s22] =	dma.local [hbm:s7], s20  }
0xa4: {  	_ =	swait.ge [sflag:s22], s20  }
0xa5: {  	s6 =	ssub.s32 $0x0, s20;
	[sflag:s22] =	ssyncset.done $0x0  }
0xa6: {  	[sflag:s22] =	ssyncadd.s32 s6;
	_ =	sdelay $0x1  }
0xa7: {  	s23 =	simm.s32 $0x1B8B  }
0xa8: {  	_ =	swait.ge [sflag:s23], $0x1  }
0xa9: {  	[sflag:s23] =	ssyncset.done $0x0  }
0xaa: {  	s25 =	simm.s32 $0x1B8E;
	s24 =	sld [smem:$0x3FFE];
	[sflag:s23] =	ssyncadd.s32 $0xFFFFFFFF  }
0xab: {  	s26 =	simm.s32 $execute0_lowered;
	[smem:$0x3FD2] =	sst s25  }
0xac: {  	s7 =	sshll.u32 s26, $0x1;
	_ =	strace $0x80000046;
	[dreg:$0x1] =	wrdreg $0xFFFFFFFF  }
0xad: {  	s28 =	simm.s32 $_size_execute0_lowered;
	s5 =	sadd.s32 s5, s7;
	[dreg:$0x0] =	wrdreg $0x0  }
0xae: {  	s7 =	sshll.u32 s28, $0x1;
	[dreg:$0x2] =	wrdreg s5  }
0xaf: {  	[dreg:$0x3] =	wrdreg s7  }
0xb0: {  	[dreg:$0x4] =	wrdreg $0xC0  }
0xb1: {  	_ =	task [dreg:s9], $0x5FFFF  }
0xb2: {  	[dreg:$0x1] =	wrdreg $0xFFFFFFFF  }
0xb3: {  	[dreg:$0x0] =	wrdreg $0x60  }
0xb4: {  	[dreg:$0x2] =	wrdreg s16  }
0xb5: {  	[dreg:$0x3] =	wrdreg s24  }
0xb6: {  	[dreg:$0x4] =	wrdreg s18  }
0xb7: {  	[dreg:$0x5] =	wrdreg s17  }
0xb8: {  	[dreg:$0x6] =	wrdreg $0x9  }
0xb9: {  	_ =	task.clear_ibuf [dreg:s9], $0x7FFFF;
	_ =	strace $0x90000046  }
0xba: {  	s29 =	simm.s32 $0x9;
	_ =	strace $0x80000048  }
0xbb: {  	_ =	swait.ge [sflag:s29], $0x1  }
0xbc: {  	[sflag:s29] =	ssyncadd.s32 $0xFFFFFFFF  }
0xbd: {  	_ =	strace $0x90000048  }
0xbe: {  	_ =	sfence  }
0xbf: {  	s30 =	sld [smem:$0x0];
	_ =	sdelay $0x2  }
0xc0: {  	s31 =	sshll.u32 s1, $0xD;
	s1 =	sshrl.u32 s1, $0x2  }
0xc1: {  	s3 =	sand.u32 $0x4000, s31;
	s1 =	sadd.s32 s1, s30  }
0xc2: {  	s0 =	sor.u32 s3, s0;
	s1 =	sshll.u32 s1, $0x11  }
0xc3: {  	s0 =	sor.u32 s1, s0  }
0xc4: {  	s0 =	sadd.s32 $0x8F2B, s0  }
0xc5: {  	[sflag:s0] =	ssyncadd.remote.s32 $0x1  }
0xc6: {  	_ =	sfence.sel $0xFFFF  }
0xc7: {  	[dreg:$0x0] =	wrdreg $0xFFFFFFFF;
	(pc) =	sbr.abs _section_cstart, $3  }
0xc8: {  	[dreg:$0x1] =	wrdreg $0xFFFFFFFF  }
0xc9: {  	_ =	task.clear_ibuf [dreg:s9], $0x2FFFF;
	_ =	strace $0x9FFFFFFF  }
0xca: {  	(tm) =	ssettm $0x7FFFFFFF  }
0xcb: {  	_ =	shalt  }
tec
execute0_lowered:
.L_overlay_start_1:
0x0: {  	(tag) =	ssettag $0x1  }
0x1: {  	v0 =	vlaneseq.u32  }
0x2: {  	v0 =	vmul.u32 $0x2, v0  }
0x3: {  	s1 =	rddreg [dreg:$0x0]  }
0x4: {  	s3 =	rddreg [dreg:$0x1];
	v1 =	vadd.s32 $0x7, v0;
	v6 =	vadd.s32 $0x29, v0;
	v7 =	vadd.s32 $0x47, v0  }
0x5: {  	s2 =	srdreg.scid;
	s5 =	rddreg [dreg:$0x2];
	v8 =	vadd.s32 $0x48, v0;
	v9 =	vadd.s32 $0x49, v0;
	v10 =	vadd.s32 $0x67, v0  }
0x6: {  	s0 =	stileid.u32;
	s7 =	rddreg [dreg:$0x3];
	v11 =	vadd.s32 $0x68, v0;
	v12 =	vadd.s32 $0x69, v0;
	v13 =	vadd.s32 $0x87, v0  }
0x7: {  	s26 =	simm.s32 $0x8;
	s10 =	simm.s32 $0x4A08;
	s11 =	simm.s32 $0x808;
	v14 =	vadd.s32 $0x88, v0;
	v15 =	vadd.s32 $0x89, v0;
	v16 =	vadd.s32 $0xA7, v0  }
0x8: {  	s12 =	simm.s32 $0x8A08;
	s13 =	simm.s32 $0x488;
	s14 =	simm.s32 $0x1A08;
	v17 =	vadd.s32 $0xA8, v0;
	v18 =	vadd.s32 $0xA9, v0;
	v19 =	vadd.s32 $0xC7, v0  }
0x9: {  	s15 =	simm.s32 $0x688;
	s16 =	simm.s32 $0x5A08;
	s17 =	simm.s32 $0x888;
	v20 =	vadd.s32 $0xC8, v0;
	v21 =	vadd.s32 $0xC9, v0;
	v22 =	vadd.s32 $0xE7, v0  }
0xa: {  	s18 =	simm.s32 $0x9A08;
	s19 =	simm.s32 $0x508;
	s28 =	simm.s32 $0x788;
	v23 =	vadd.s32 $0xE8, v0;
	v24 =	vadd.s32 $0xE9, v0;
	v25 =	vadd.s32 $0x107, v0  }
0xb: {  	s29 =	simm.s32 $0x7A08;
	s4 =	sand.u32 $0x1, s2;
	s20 =	sshll.u32 s0, $0x1;
	v26 =	vadd.s32 $0x108, v0;
	v27 =	vadd.s32 $0x109, v0;
	v28 =	vadd.s32 $0x127, v0  }
0xc: {  	s30 =	simm.s32 $0x988;
	s2 =	simm.s32 $0x0;
	s6 =	sor.u32 s4, s20;
	v29 =	vadd.s32 $0x128, v0;
	v30 =	vadd.s32 $0x129, v0;
	[tilespmem:$0x1FFB0] =	vst v1;
	v1 =	vadd.s32 $0x8, v0  }
0xd: {  	s31 =	simm.s32 $0xBA08;
	[smem:$0x7FF] =	sst s2;
	s8 =	sshll.u32 s6, $0x7;
	v31 =	vadd.s32 $0x147, v0;
	v32 =	vadd.s32 $0x148, v0;
	[tilespmem:$0x1FFC0] =	vst v1;
	v1 =	vadd.s32 $0x9, v0  }
0xe: {  	s4 =	ssub.s32 $0x2, s4;
	s20 =	simm.s32 $0x2A08;
	v33 =	vadd.s32 $0x149, v0;
	v34 =	vadd.s32 $0x167, v0;
	s9 =	sadd.s32 $0xFFFFFFFF, s8;
	[tilespmem:$0x1FFD0] =	vst v1;
	v1 =	vadd.s32 $0x27, v0  }
0xf: {  	s6 =	sshll.u32 s6, $0xB;
	s24 =	sshrl.u32 s4, $0x1;
	v35 =	vadd.s32 $0x168, v0;
	v36 =	vadd.s32 $0x169, v0;
	s9 =	sand.u32 $0xFFF, s9;
	[tilespmem:$0x1FFE0] =	vst v1;
	v1 =	vadd.s32 $0x28, v0  }
0x10: {  	v37 =	vadd.s32 $0x187, v0;
	v38 =	vadd.s32 $0x188, v0;
	v39 =	vadd.s32 $0x189, v0;
	s21 =	sadd.s32 s6, s3;
	s22 =	sadd.s32 s5, s6;
	s9 =	sadd.s32 s1, s9;
	[tilespmem:$0x1FFF0] =	vst v1  }
0x11: {  	v40 =	vadd.s32 $0x1A7, v0;
	v41 =	vadd.s32 $0x1A8, v0;
	v42 =	vadd.s32 $0x1A9, v0;
	s1 =	sadd.s32 s1, s8;
	_ =	strace $0x80000047;
	[dreg:$0x5] =	wrdreg s9  }
0x12: {  	v43 =	vadd.s32 $0x1C7, v0;
	v44 =	vadd.s32 $0x1C8, v0;
	v45 =	vadd.s32 $0x1C9, v0;
	s23 =	sadd.s32 s7, s6;
	s3 =	sadd.s32 $0xF43200, s3;
	[dreg:$0x6] =	wrdreg s1  }
0x13: {  	v46 =	vadd.s32 $0x1E7, v0;
	v47 =	vadd.s32 $0x1E8, v0;
	v48 =	vadd.s32 $0x1E9, v0;
	s4 =	ssub.s32 s4, s24;
	s5 =	simm.s32 $0x2;
	[dreg:$0x7] =	wrdreg s22  }
0x14: {  	v49 =	vadd.s32 $0x207, v0;
	v50 =	vadd.s32 $0x208, v0;
	v51 =	vadd.s32 $0x209, v0;
	s6 =	simm.s32 $0x80;
	s25 =	sadd.s32 $0xE00, s21;
	[dreg:$0x8] =	wrdreg s23  }
0x15: {  	v52 =	vadd.s32 $0x227, v0;
	v53 =	vadd.s32 $0x228, v0;
	v54 =	vadd.s32 $0x229, v0;
	s24 =	simm.s32 $0xAA08;
	s4 =	smax.u32 s4, $0x1;
	[dreg:$0x9] =	wrdreg s25  }
0x16: {  	v55 =	vadd.s32 $0x247, v0;
	v56 =	vadd.s32 $0x248, v0;
	v57 =	vadd.s32 $0x249, v0;
	s21 =	simm.s32 $0x708;
	s8 =	simm.s32 $0xA08;
	[dreg:$0xa] =	wrdreg s26  }
0x17: {  	v58 =	vadd.s32 $0x267, v0;
	v59 =	vadd.s32 $0x268, v0;
	v60 =	vadd.s32 $0x269, v0;
	s9 =	simm.s32 $0x608;
	s22 =	simm.s32 $0x6A08;
	s23 =	simm.s32 $0x908  }
0x18: {  	v61 =	vadd.s32 $0x287, v0;
	v62 =	vadd.s32 $0x288, v0;
	v63 =	vadd.s32 $0x289, v0;
	s25 =	simm.s32 $0x588;
	s26 =	simm.s32 $0x3A08;
	s1 =	simm.s32 $0x1  }
.LBB2_1:
0x19: {  	s0 =	rddreg [dreg:$0x5]  }
0x1a: {  	[tilespmem:s2], [sflag:$0x2] =	stream.linear.gather [hbm4b:s0+s2], $0x8, $0x38;
	[tilespmem:$0xCA08] =	vst v63  }
0x1b: {  	_ =	swait.ge [sflag:s5], $0x8  }
0x1c: {  	s0 =	rddreg [dreg:$0x6];
	[sflag:s5] =	ssyncset.done $0x0  }
0x1d: {  	s7 =	rddreg [dreg:$0xa];
	[sflag:s5] =	ssyncadd.s32 $0xFFFFFFF8  }
0x1e: {  	[tilespmem:s7], [sflag:$0x2] =	stream.linear.gather [hbm4b:s0+s2], $0x400, $0x38;
	[tilespmem:$0xCA08] =	vst v63  }
0x1f: {  	_ =	swait.ge [sflag:s5], $0x400  }
0x20: {  	v1 =	vld [tilespmem:$0x1FFC0]  }
0x21: {  	v3 =	vld [tilespmem:$0x1FFB0];
	_ =	sdelay $0x2  }
0x22: {  	v2 =	vld [tilespmem:$0x1FFD0];
	_ =	sdelay $0x1  }
0x23: {  	[sflag:s5] =	ssyncset.done $0x0  }
0x24: {  	[sflag:s5] =	ssyncadd.s32 $0xFFFFFC00  }
0x25: {  	v1 =	vld.idx.msk [tilespmem:v1+s2+$0x0], $0xffff  }
0x26: {  	v3 =	vld.idx.msk [tilespmem:v3+s2+$0x0], $0xffff;
	_ =	sdelay $0x2  }
0x27: {  	v2 =	vld.idx.msk [tilespmem:v2+s2+$0x0], $0xffff  }
0x28: {  	[tilespmem:$0x408] =	vst v1;
	v1 =	vld [tilespmem:$0x1FFF0]  }
0x29: {  	[tilespmem:$0x808] =	vst v3;
	v3 =	vld [tilespmem:$0x1FFE0];
	_ =	sdelay $0x4  }
0x2a: {  	[tilespmem:$0x608] =	vst v2  }
0x2b: {  	v2 =	vld.idx.msk [tilespmem:v6+s2+$0x0], $0xffff  }
0x2c: {  	v1 =	vld.idx.msk [tilespmem:v1+s2+$0x0], $0xffff  }
0x2d: {  	v3 =	vld.idx.msk [tilespmem:v3+s2+$0x0], $0xffff;
	_ =	sdelay $0x2  }
0x2e: {  	[tilespmem:$0x618] =	vst v2  }
0x2f: {  	[tilespmem:$0x418] =	vst v1  }
0x30: {  	[tilespmem:$0x818] =	vst v3  }
0x31: {  	v1 =	vld.idx.msk [tilespmem:v8+s2+$0x0], $0xffff  }
0x32: {  	v2 =	vld.idx.msk [tilespmem:v9+s2+$0x0], $0xffff  }
0x33: {  	v3 =	vld.idx.msk [tilespmem:v7+s2+$0x0], $0xffff;
	_ =	sdelay $0x2  }
0x34: {  	[tilespmem:$0x428] =	vst v1  }
0x35: {  	[tilespmem:$0x628] =	vst v2  }
0x36: {  	[tilespmem:$0x828] =	vst v3  }
0x37: {  	v1 =	vld.idx.msk [tilespmem:v11+s2+$0x0], $0xffff  }
0x38: {  	v2 =	vld.idx.msk [tilespmem:v12+s2+$0x0], $0xffff  }
0x39: {  	v3 =	vld.idx.msk [tilespmem:v10+s2+$0x0], $0xffff;
	_ =	sdelay $0x2  }
0x3a: {  	[tilespmem:$0x438] =	vst v1  }
0x3b: {  	[tilespmem:$0x638] =	vst v2  }
0x3c: {  	[tilespmem:$0x838] =	vst v3  }
0x3d: {  	v1 =	vld.idx.msk [tilespmem:v14+s2+$0x0], $0xffff  }
0x3e: {  	v2 =	vld.idx.msk [tilespmem:v15+s2+$0x0], $0xffff  }
0x3f: {  	v3 =	vld.idx.msk [tilespmem:v13+s2+$0x0], $0xffff;
	_ =	sdelay $0x2  }
0x40: {  	[tilespmem:$0x448] =	vst v1  }
0x41: {  	[tilespmem:$0x648] =	vst v2  }
0x42: {  	[tilespmem:$0x848] =	vst v3  }
0x43: {  	v1 =	vld.idx.msk [tilespmem:v17+s2+$0x0], $0xffff  }
0x44: {  	v2 =	vld.idx.msk [tilespmem:v18+s2+$0x0], $0xffff  }
0x45: {  	v3 =	vld.idx.msk [tilespmem:v16+s2+$0x0], $0xffff;
	_ =	sdelay $0x2  }
0x46: {  	[tilespmem:$0x458] =	vst v1  }
0x47: {  	[tilespmem:$0x658] =	vst v2  }
0x48: {  	[tilespmem:$0x858] =	vst v3  }
0x49: {  	v1 =	vld.idx.msk [tilespmem:v20+s2+$0x0], $0xffff  }
0x4a: {  	v2 =	vld.idx.msk [tilespmem:v21+s2+$0x0], $0xffff  }
0x4b: {  	v3 =	vld.idx.msk [tilespmem:v19+s2+$0x0], $0xffff;
	_ =	sdelay $0x2  }
0x4c: {  	[tilespmem:$0x468] =	vst v1  }
0x4d: {  	[tilespmem:$0x668] =	vst v2  }
0x4e: {  	[tilespmem:$0x868] =	vst v3  }
0x4f: {  	v1 =	vld.idx.msk [tilespmem:v23+s2+$0x0], $0xffff  }
0x50: {  	v2 =	vld.idx.msk [tilespmem:v24+s2+$0x0], $0xffff  }
0x51: {  	v3 =	vld.idx.msk [tilespmem:v22+s2+$0x0], $0xffff;
	_ =	sdelay $0x2  }
0x52: {  	[tilespmem:$0x478] =	vst v1  }
0x53: {  	[tilespmem:$0x678] =	vst v2  }
0x54: {  	[tilespmem:$0x878] =	vst v3  }
0x55: {  	v1 =	vld.idx.msk [tilespmem:v26+s2+$0x0], $0xffff  }
0x56: {  	v2 =	vld.idx.msk [tilespmem:v27+s2+$0x0], $0xffff  }
0x57: {  	v3 =	vld.idx.msk [tilespmem:v25+s2+$0x0], $0xffff;
	_ =	sdelay $0x2  }
0x58: {  	[tilespmem:$0x488] =	vst v1  }
0x59: {  	[tilespmem:$0x688] =	vst v2  }
0x5a: {  	[tilespmem:$0x888] =	vst v3  }
0x5b: {  	v1 =	vld.idx.msk [tilespmem:v29+s2+$0x0], $0xffff  }
0x5c: {  	v2 =	vld.idx.msk [tilespmem:v30+s2+$0x0], $0xffff  }
0x5d: {  	v3 =	vld.idx.msk [tilespmem:v28+s2+$0x0], $0xffff;
	_ =	sdelay $0x2  }
0x5e: {  	[tilespmem:$0x498] =	vst v1  }
0x5f: {  	[tilespmem:$0x698] =	vst v2  }
0x60: {  	[tilespmem:$0x898] =	vst v3  }
0x61: {  	v1 =	vld.idx.msk [tilespmem:v32+s2+$0x0], $0xffff  }
0x62: {  	v2 =	vld.idx.msk [tilespmem:v33+s2+$0x0], $0xffff  }
0x63: {  	v3 =	vld.idx.msk [tilespmem:v31+s2+$0x0], $0xffff;
	_ =	sdelay $0x2  }
0x64: {  	[tilespmem:$0x4A8] =	vst v1  }
0x65: {  	[tilespmem:$0x6A8] =	vst v2  }
0x66: {  	[tilespmem:$0x8A8] =	vst v3  }
0x67: {  	v1 =	vld.idx.msk [tilespmem:v35+s2+$0x0], $0xffff  }
0x68: {  	v2 =	vld.idx.msk [tilespmem:v36+s2+$0x0], $0xffff  }
0x69: {  	v3 =	vld.idx.msk [tilespmem:v34+s2+$0x0], $0xffff;
	_ =	sdelay $0x2  }
0x6a: {  	[tilespmem:$0x4B8] =	vst v1  }
0x6b: {  	[tilespmem:$0x6B8] =	vst v2  }
0x6c: {  	[tilespmem:$0x8B8] =	vst v3  }
0x6d: {  	v1 =	vld.idx.msk [tilespmem:v38+s2+$0x0], $0xffff  }
0x6e: {  	v2 =	vld.idx.msk [tilespmem:v39+s2+$0x0], $0xffff  }
0x6f: {  	v3 =	vld.idx.msk [tilespmem:v37+s2+$0x0], $0xffff;
	_ =	sdelay $0x2  }
0x70: {  	[tilespmem:$0x4C8] =	vst v1  }
0x71: {  	[tilespmem:$0x6C8] =	vst v2  }
0x72: {  	[tilespmem:$0x8C8] =	vst v3  }
0x73: {  	v1 =	vld.idx.msk [tilespmem:v41+s2+$0x0], $0xffff  }
0x74: {  	v2 =	vld.idx.msk [tilespmem:v42+s2+$0x0], $0xffff  }
0x75: {  	v3 =	vld.idx.msk [tilespmem:v40+s2+$0x0], $0xffff;
	_ =	sdelay $0x2  }
0x76: {  	[tilespmem:$0x4D8] =	vst v1  }
0x77: {  	[tilespmem:$0x6D8] =	vst v2  }
0x78: {  	[tilespmem:$0x8D8] =	vst v3  }
0x79: {  	v1 =	vld.idx.msk [tilespmem:v44+s2+$0x0], $0xffff  }
0x7a: {  	v2 =	vld.idx.msk [tilespmem:v45+s2+$0x0], $0xffff  }
0x7b: {  	v3 =	vld.idx.msk [tilespmem:v43+s2+$0x0], $0xffff;
	_ =	sdelay $0x2  }
0x7c: {  	[tilespmem:$0x4E8] =	vst v1  }
0x7d: {  	[tilespmem:$0x6E8] =	vst v2  }
0x7e: {  	[tilespmem:$0x8E8] =	vst v3  }
0x7f: {  	v1 =	vld.idx.msk [tilespmem:v47+s2+$0x0], $0xffff  }
0x80: {  	v2 =	vld.idx.msk [tilespmem:v48+s2+$0x0], $0xffff  }
0x81: {  	v3 =	vld.idx.msk [tilespmem:v46+s2+$0x0], $0xffff;
	_ =	sdelay $0x2  }
0x82: {  	[tilespmem:$0x4F8] =	vst v1  }
0x83: {  	[tilespmem:$0x6F8] =	vst v2  }
0x84: {  	[tilespmem:$0x8F8] =	vst v3  }
0x85: {  	v1 =	vld.idx.msk [tilespmem:v50+s2+$0x0], $0xffff  }
0x86: {  	v2 =	vld.idx.msk [tilespmem:v51+s2+$0x0], $0xffff  }
0x87: {  	v3 =	vld.idx.msk [tilespmem:v49+s2+$0x0], $0xffff;
	_ =	sdelay $0x2  }
0x88: {  	[tilespmem:$0x508] =	vst v1  }
0x89: {  	[tilespmem:$0x708] =	vst v2  }
0x8a: {  	[tilespmem:$0x908] =	vst v3  }
0x8b: {  	v1 =	vld.idx.msk [tilespmem:v53+s2+$0x0], $0xffff  }
0x8c: {  	v2 =	vld.idx.msk [tilespmem:v54+s2+$0x0], $0xffff  }
0x8d: {  	v3 =	vld.idx.msk [tilespmem:v52+s2+$0x0], $0xffff;
	_ =	sdelay $0x2  }
0x8e: {  	[tilespmem:$0x518] =	vst v1  }
0x8f: {  	[tilespmem:$0x718] =	vst v2  }
0x90: {  	[tilespmem:$0x918] =	vst v3  }
0x91: {  	v1 =	vld.idx.msk [tilespmem:v56+s2+$0x0], $0xffff  }
0x92: {  	v2 =	vld.idx.msk [tilespmem:v57+s2+$0x0], $0xffff  }
0x93: {  	v3 =	vld.idx.msk [tilespmem:v55+s2+$0x0], $0xffff;
	_ =	sdelay $0x2  }
0x94: {  	[tilespmem:$0x528] =	vst v1  }
0x95: {  	[tilespmem:$0x728] =	vst v2  }
0x96: {  	[tilespmem:$0x928] =	vst v3  }
0x97: {  	v1 =	vld.idx.msk [tilespmem:v59+s2+$0x0], $0xffff  }
0x98: {  	v2 =	vld.idx.msk [tilespmem:v60+s2+$0x0], $0xffff  }
0x99: {  	v3 =	vld.idx.msk [tilespmem:v58+s2+$0x0], $0xffff;
	_ =	sdelay $0x2  }
0x9a: {  	[tilespmem:$0x538] =	vst v1  }
0x9b: {  	[tilespmem:$0x738] =	vst v2  }
0x9c: {  	[tilespmem:$0x938] =	vst v3  }
0x9d: {  	v1 =	vld.idx.msk [tilespmem:v62+s2+$0x0], $0xffff  }
0x9e: {  	v2 =	vld.idx.msk [tilespmem:v63+s2+$0x0], $0xffff  }
0x9f: {  	v3 =	vld.idx.msk [tilespmem:v61+s2+$0x0], $0xffff  }
0xa0: {  	v4 =	vadd.s32 $0x2A8, v0  }
0xa1: {  	v5 =	vadd.s32 $0x2A9, v0  }
0xa2: {  	[tilespmem:$0x548] =	vst v1;
	v1 =	vadd.s32 $0x2A7, v0  }
0xa3: {  	[tilespmem:$0x748] =	vst v2  }
0xa4: {  	[tilespmem:$0x948] =	vst v3  }
0xa5: {  	v2 =	vld.idx.msk [tilespmem:v4+s2+$0x0], $0xffff  }
0xa6: {  	v3 =	vld.idx.msk [tilespmem:v5+s2+$0x0], $0xffff  }
0xa7: {  	v1 =	vld.idx.msk [tilespmem:v1+s2+$0x0], $0xffff  }
0xa8: {  	v4 =	vadd.s32 $0x2C8, v0  }
0xa9: {  	v5 =	vadd.s32 $0x2C9, v0  }
0xaa: {  	[tilespmem:$0x558] =	vst v2;
	v2 =	vadd.s32 $0x2C7, v0  }
0xab: {  	[tilespmem:$0x758] =	vst v3  }
0xac: {  	[tilespmem:$0x958] =	vst v1  }
0xad: {  	v1 =	vld.idx.msk [tilespmem:v4+s2+$0x0], $0xffff  }
0xae: {  	v3 =	vld.idx.msk [tilespmem:v5+s2+$0x0], $0xffff  }
0xaf: {  	v2 =	vld.idx.msk [tilespmem:v2+s2+$0x0], $0xffff  }
0xb0: {  	v4 =	vadd.s32 $0x2E8, v0  }
0xb1: {  	v5 =	vadd.s32 $0x2E9, v0  }
0xb2: {  	[tilespmem:$0x568] =	vst v1;
	v1 =	vadd.s32 $0x2E7, v0  }
0xb3: {  	[tilespmem:$0x768] =	vst v3  }
0xb4: {  	[tilespmem:$0x968] =	vst v2  }
0xb5: {  	v2 =	vld.idx.msk [tilespmem:v4+s2+$0x0], $0xffff  }
0xb6: {  	v3 =	vld.idx.msk [tilespmem:v5+s2+$0x0], $0xffff  }
0xb7: {  	v1 =	vld.idx.msk [tilespmem:v1+s2+$0x0], $0xffff  }
0xb8: {  	v4 =	vadd.s32 $0x308, v0  }
0xb9: {  	v5 =	vadd.s32 $0x309, v0  }
0xba: {  	[tilespmem:$0x578] =	vst v2;
	v2 =	vadd.s32 $0x307, v0  }
0xbb: {  	[tilespmem:$0x778] =	vst v3  }
0xbc: {  	[tilespmem:$0x978] =	vst v1  }
0xbd: {  	v1 =	vld.idx.msk [tilespmem:v4+s2+$0x0], $0xffff  }
0xbe: {  	v3 =	vld.idx.msk [tilespmem:v5+s2+$0x0], $0xffff  }
0xbf: {  	v2 =	vld.idx.msk [tilespmem:v2+s2+$0x0], $0xffff  }
0xc0: {  	v4 =	vadd.s32 $0x328, v0  }
0xc1: {  	v5 =	vadd.s32 $0x329, v0  }
0xc2: {  	[tilespmem:$0x588] =	vst v1;
	v1 =	vadd.s32 $0x327, v0  }
0xc3: {  	[tilespmem:$0x788] =	vst v3  }
0xc4: {  	[tilespmem:$0x988] =	vst v2  }
0xc5: {  	v2 =	vld.idx.msk [tilespmem:v4+s2+$0x0], $0xffff  }
0xc6: {  	v3 =	vld.idx.msk [tilespmem:v5+s2+$0x0], $0xffff  }
0xc7: {  	v1 =	vld.idx.msk [tilespmem:v1+s2+$0x0], $0xffff  }
0xc8: {  	v4 =	vadd.s32 $0x348, v0  }
0xc9: {  	v5 =	vadd.s32 $0x349, v0  }
0xca: {  	[tilespmem:$0x598] =	vst v2;
	v2 =	vadd.s32 $0x347, v0  }
0xcb: {  	[tilespmem:$0x798] =	vst v3  }
0xcc: {  	[tilespmem:$0x998] =	vst v1  }
0xcd: {  	v1 =	vld.idx.msk [tilespmem:v4+s2+$0x0], $0xffff  }
0xce: {  	v3 =	vld.idx.msk [tilespmem:v5+s2+$0x0], $0xffff  }
0xcf: {  	v2 =	vld.idx.msk [tilespmem:v2+s2+$0x0], $0xffff  }
0xd0: {  	v4 =	vadd.s32 $0x368, v0  }
0xd1: {  	v5 =	vadd.s32 $0x369, v0  }
0xd2: {  	[tilespmem:$0x5A8] =	vst v1;
	v1 =	vadd.s32 $0x367, v0  }
0xd3: {  	[tilespmem:$0x7A8] =	vst v3  }
0xd4: {  	[tilespmem:$0x9A8] =	vst v2  }
0xd5: {  	v2 =	vld.idx.msk [tilespmem:v4+s2+$0x0], $0xffff  }
0xd6: {  	v3 =	vld.idx.msk [tilespmem:v5+s2+$0x0], $0xffff  }
0xd7: {  	v1 =	vld.idx.msk [tilespmem:v1+s2+$0x0], $0xffff  }
0xd8: {  	v4 =	vadd.s32 $0x388, v0  }
0xd9: {  	v5 =	vadd.s32 $0x389, v0  }
0xda: {  	[tilespmem:$0x5B8] =	vst v2;
	v2 =	vadd.s32 $0x387, v0  }
0xdb: {  	[tilespmem:$0x7B8] =	vst v3  }
0xdc: {  	[tilespmem:$0x9B8] =	vst v1  }
0xdd: {  	v1 =	vld.idx.msk [tilespmem:v4+s2+$0x0], $0xffff  }
0xde: {  	v3 =	vld.idx.msk [tilespmem:v5+s2+$0x0], $0xffff  }
0xdf: {  	v2 =	vld.idx.msk [tilespmem:v2+s2+$0x0], $0xffff  }
0xe0: {  	v4 =	vadd.s32 $0x3A8, v0  }
0xe1: {  	v5 =	vadd.s32 $0x3A9, v0  }
0xe2: {  	[tilespmem:$0x5C8] =	vst v1;
	v1 =	vadd.s32 $0x3A7, v0  }
0xe3: {  	[tilespmem:$0x7C8] =	vst v3  }
0xe4: {  	[tilespmem:$0x9C8] =	vst v2  }
0xe5: {  	v2 =	vld.idx.msk [tilespmem:v4+s2+$0x0], $0xffff  }
0xe6: {  	v3 =	vld.idx.msk [tilespmem:v5+s2+$0x0], $0xffff  }
0xe7: {  	v1 =	vld.idx.msk [tilespmem:v1+s2+$0x0], $0xffff  }
0xe8: {  	v4 =	vadd.s32 $0x3C8, v0  }
0xe9: {  	v5 =	vadd.s32 $0x3C9, v0  }
0xea: {  	[tilespmem:$0x5D8] =	vst v2;
	v2 =	vadd.s32 $0x3C7, v0  }
0xeb: {  	[tilespmem:$0x7D8] =	vst v3  }
0xec: {  	[tilespmem:$0x9D8] =	vst v1  }
0xed: {  	v1 =	vld.idx.msk [tilespmem:v4+s2+$0x0], $0xffff  }
0xee: {  	v3 =	vld.idx.msk [tilespmem:v5+s2+$0x0], $0xffff  }
0xef: {  	v2 =	vld.idx.msk [tilespmem:v2+s2+$0x0], $0xffff  }
0xf0: {  	v4 =	vadd.s32 $0x3E8, v0  }
0xf1: {  	v5 =	vadd.s32 $0x3E9, v0  }
0xf2: {  	[tilespmem:$0x5E8] =	vst v1;
	v1 =	vadd.s32 $0x3E7, v0  }
0xf3: {  	[tilespmem:$0x7E8] =	vst v3  }
0xf4: {  	[tilespmem:$0x9E8] =	vst v2  }
0xf5: {  	v2 =	vld.idx.msk [tilespmem:v4+s2+$0x0], $0xffff  }
0xf6: {  	v3 =	vld.idx.msk [tilespmem:v5+s2+$0x0], $0xffff  }
0xf7: {  	v1 =	vld.idx.msk [tilespmem:v1+s2+$0x0], $0xffff;
	_ =	sdelay $0x2  }
0xf8: {  	[tilespmem:$0x5F8] =	vst v2  }
0xf9: {  	[tilespmem:$0x7F8] =	vst v3  }
0xfa: {  	s7 =	simm.s32 $0x408;
	[tilespmem:$0x9F8] =	vst v1  }
0xfb: {  	[tilespmem:s8], [sflag:$0x1] =	stream.indirect.gather [hbm4b:s3+s6], $0x20, s7, s6, $0xb8;
	[tilespmem:$0xCA08] =	vst v63  }
0xfc: {  	_ = 	snop  }
0xfd: {  	[tilespmem:s10], [sflag:$0x1] =	stream.indirect.gather [hbm4b:s3+s6], $0x20, s9, s6, $0xb8;
	[tilespmem:$0xCA08] =	vst v63  }
0xfe: {  	_ = 	snop  }
0xff: {  	[tilespmem:s12], [sflag:$0x1] =	stream.indirect.gather [hbm4b:s3+s6], $0x20, s11, s6, $0xb8;
	[tilespmem:$0xCA08] =	vst v63  }
0x100: {  	_ = 	snop  }
0x101: {  	[tilespmem:s14], [sflag:$0x1] =	stream.indirect.gather [hbm4b:s3+s6], $0x20, s13, s6, $0xb8;
	[tilespmem:$0xCA08] =	vst v63  }
0x102: {  	_ = 	snop  }
0x103: {  	[tilespmem:s16], [sflag:$0x1] =	stream.indirect.gather [hbm4b:s3+s6], $0x20, s15, s6, $0xb8;
	[tilespmem:$0xCA08] =	vst v63  }
0x104: {  	_ = 	snop  }
0x105: {  	[tilespmem:s18], [sflag:$0x1] =	stream.indirect.gather [hbm4b:s3+s6], $0x20, s17, s6, $0xb8;
	[tilespmem:$0xCA08] =	vst v63  }
0x106: {  	_ = 	snop  }
0x107: {  	[tilespmem:s20], [sflag:$0x1] =	stream.indirect.gather [hbm4b:s3+s6], $0x20, s19, s6, $0xb8;
	[tilespmem:$0xCA08] =	vst v63  }
0x108: {  	_ = 	snop  }
0x109: {  	[tilespmem:s22], [sflag:$0x1] =	stream.indirect.gather [hbm4b:s3+s6], $0x20, s21, s6, $0xb8;
	[tilespmem:$0xCA08] =	vst v63  }
0x10a: {  	_ = 	snop  }
0x10b: {  	[tilespmem:s24], [sflag:$0x1] =	stream.indirect.gather [hbm4b:s3+s6], $0x20, s23, s6, $0xb8;
	[tilespmem:$0xCA08] =	vst v63  }
0x10c: {  	_ = 	snop  }
0x10d: {  	[tilespmem:s26], [sflag:$0x1] =	stream.indirect.gather [hbm4b:s3+s6], $0x20, s25, s6, $0xb8;
	[tilespmem:$0xCA08] =	vst v63  }
0x10e: {  	_ = 	snop  }
0x10f: {  	[tilespmem:s29], [sflag:$0x1] =	stream.indirect.gather [hbm4b:s3+s6], $0x20, s28, s6, $0xb8;
	[tilespmem:$0xCA08] =	vst v63  }
0x110: {  	_ = 	snop  }
0x111: {  	[tilespmem:s31], [sflag:$0x1] =	stream.indirect.gather [hbm4b:s3+s6], $0x20, s30, s6, $0xb8;
	[tilespmem:$0xCA08] =	vst v63  }
0x112: {  	_ =	swait.ge [sflag:s1], $0x1000  }
0x113: {  	[sflag:s1] =	ssyncset.done $0x0  }
0x114: {  	[sflag:s1] =	ssyncadd.s32 $0xFFFFF000  }
0x115: {  	_ =	swait.ge [sflag:s1], $0x1000  }
0x116: {  	[sflag:s1] =	ssyncset.done $0x0  }
0x117: {  	[sflag:s1] =	ssyncadd.s32 $0xFFFFF000  }
0x118: {  	_ =	swait.ge [sflag:s1], $0x1000  }
0x119: {  	[sflag:s1] =	ssyncset.done $0x0  }
0x11a: {  	[sflag:s1] =	ssyncadd.s32 $0xFFFFF000  }
0x11b: {  	_ =	swait.ge [sflag:s1], $0x1000  }
0x11c: {  	[sflag:s1] =	ssyncset.done $0x0  }
0x11d: {  	[sflag:s1] =	ssyncadd.s32 $0xFFFFF000  }
0x11e: {  	_ =	swait.ge [sflag:s1], $0x1000  }
0x11f: {  	[sflag:s1] =	ssyncset.done $0x0  }
0x120: {  	[sflag:s1] =	ssyncadd.s32 $0xFFFFF000  }
0x121: {  	_ =	swait.ge [sflag:s1], $0x1000  }
0x122: {  	[sflag:s1] =	ssyncset.done $0x0  }
0x123: {  	[sflag:s1] =	ssyncadd.s32 $0xFFFFF000  }
0x124: {  	_ =	swait.ge [sflag:s1], $0x1000  }
0x125: {  	[sflag:s1] =	ssyncset.done $0x0  }
0x126: {  	[sflag:s1] =	ssyncadd.s32 $0xFFFFF000  }
0x127: {  	_ =	swait.ge [sflag:s1], $0x1000  }
0x128: {  	[sflag:s1] =	ssyncset.done $0x0  }
0x129: {  	[sflag:s1] =	ssyncadd.s32 $0xFFFFF000  }
0x12a: {  	_ =	swait.ge [sflag:s1], $0x1000  }
0x12b: {  	[sflag:s1] =	ssyncset.done $0x0  }
0x12c: {  	[sflag:s1] =	ssyncadd.s32 $0xFFFFF000  }
0x12d: {  	_ =	swait.ge [sflag:s1], $0x1000  }
0x12e: {  	[sflag:s1] =	ssyncset.done $0x0  }
0x12f: {  	[sflag:s1] =	ssyncadd.s32 $0xFFFFF000  }
0x130: {  	_ =	swait.ge [sflag:s1], $0x1000  }
0x131: {  	[sflag:s1] =	ssyncset.done $0x0  }
0x132: {  	[sflag:s1] =	ssyncadd.s32 $0xFFFFF000  }
0x133: {  	_ =	swait.ge [sflag:s1], $0x1000  }
0x134: {  	[sflag:s1] =	ssyncset.done $0x0  }
0x135: {  	s7 =	rddreg [dreg:$0x7];
	[sflag:s1] =	ssyncadd.s32 $0xFFFFF000  }
0x136: {  	[hbm4b:s7+s2] =	stream.linear.scatter [tilespmem:s8], [sflag:$0x2], $0x4000, $0x38;
	[tilespmem:$0xCA08] =	vst v63  }
0x137: {  	_ =	swait.ge [sflag:s5], $0x4000  }
0x138: {  	[sflag:s5] =	ssyncset.done $0x0  }
0x139: {  	s7 =	rddreg [dreg:$0x8];
	[sflag:s5] =	ssyncadd.s32 $0xFFFFC000  }
0x13a: {  	[hbm4b:s7+s2] =	stream.linear.scatter [tilespmem:s10], [sflag:$0x2], $0x4000, $0x38;
	[tilespmem:$0xCA08] =	vst v63  }
0x13b: {  	_ =	swait.ge [sflag:s5], $0x4000  }
0x13c: {  	p0 =	sne.s32 s4, $0x1;
	[sflag:s5] =	ssyncset.done $0x0  }
.Ltmp0:
0x13d: {  	s7 =	rddreg [dreg:$0x9];
	[sflag:s5] =	ssyncadd.s32 $0xFFFFC000;
	(pc) =	sbr.rel @p0 .LBB2_1-.Ltmp0, $4  }
0x13e: {  	[hbm4b:s7+s2] =	stream.linear.scatter [tilespmem:s12], [sflag:$0x2], $0x4000, $0x38;
	[tilespmem:$0xCA08] =	vst v63  }
0x13f: {  	_ =	swait.ge [sflag:s5], $0x4000  }
0x140: {  	[sflag:s5] =	ssyncset.done $0x0  }
0x141: {  	s4 =	sadd.s32 $0xFFFFFFFF, s4;
	[sflag:s5] =	ssyncadd.s32 $0xFFFFC000  }
0x142: {  	_ =	sfence.sel $0x180000  }
0x143: {  	[bflag:$0x0] =	sbarrier.arrive $0xFFFF  }
0x144: {  	_ =	strace $0x90000047  }
0x145: {  	s0 =	stileid.u32;
	[bflag:$0x2] =	sbarrier.arrive $0xFFFF  }
0x146: {  	p0 =	sne.s32 s0, $0x0;
	s0 =	rddreg [dreg:$0x4]  }
0x147: {  	s0 =	sadd.s32 @!p0 $0x100000, s0  }
0x148: {  	[sflag:s0] =	ssyncadd.tile.s32 @!p0 $0x1;
	_ =	shalt  }
.Lfunc_end2:
_tile_overlayer_lowered:
.L_overlay_start_2:
0x149: {  	(tag) =	ssettag $0x2  }
0x14a: {  	s0 =	rddreg [dreg:$0x0];
	s2 =	stileid.u32  }
0x14b: {  	s1 =	rddreg [dreg:$0x1];
	p0 =	sne.s32 s2, $0x0  }
0x14c: {  	s3 =	rddreg [dreg:$0x2];
	[bflag:$0x3] =	sbarrier.arrive $0xFFFF;
	s2 =	simm.s32 @!p0 $0x1C02  }
0x14d: {  	[timem:s3], [sflag:s2] =	dma.local @!p0 [hbm:s0], s1  }
0x14e: {  	s0 =	simm.s32 @!p0 $0x2  }
0x14f: {  	_ =	swait.ge @!p0 [sflag:s0], s1  }
0x150: {  	s1 =	ssub.s32 @!p0 $0x0, s1;
	[sflag:s0] =	ssyncset.done @!p0 $0x0  }
0x151: {  	[sflag:s0] =	ssyncadd.s32 @!p0 s1  }
0x152: {  	[bflag:$0x3] =	sbarrier.arrive $0xFFFF  }
0x153: {  	_ =	shalt  }

</sc_bundles>
